<compile_context>
chip_gen: v7x
topology: tpu7x:2x2x1
jax: 0.10.2.dev20260603
libtpu: 0.0.44.dev20260713+nightly
codegen_flags: <defaults>
</compile_context>

<pallas_src>
import functools

import jax
import jax.numpy as jnp
import numpy as np
from jax import lax
from jax.experimental import pallas as pl
from jax.experimental.pallas import tpu as pltpu
from jax.experimental.pallas import tpu_sc as plsc

B = 16384
N = 128
WORDS = 16
LANES = 16
NUM_TILES = 32
AGENTS_PER_TILE = B // NUM_TILES
BLOCKS_PER_TILE = AGENTS_PER_TILE // LANES
ROW = N * WORDS
BLKW = LANES * ROW

TWO_PI = np.float32(2.0 * np.pi)
BIN_W = np.float32(2.0 * np.pi / 8.0)
HALF_PI = np.float32(np.pi / 2.0)
PI = np.float32(np.pi)

_ATAN_COEF = (
    0.9999999930825875, -0.3333325408042316, 0.19997750503685063,
    -0.142579926539381, 0.10926076351926126, -0.08340029968614161,
    0.057034036280421634, -0.030384225655218984, 0.010544175569897016,
    -0.0017213223720735909,
)


def _fsqrt(x):
    i = lax.bitcast_convert_type(x, jnp.int32)
    i = jnp.int32(0x5F3759DF) - lax.shift_right_logical(i, 1)
    y = lax.bitcast_convert_type(i, jnp.float32)
    xh = x * jnp.float32(0.5)
    y = y * (jnp.float32(1.5) - xh * y * y)
    y = y * (jnp.float32(1.5) - xh * y * y)
    return x * y


def _fatan2(py, px):
    c = [jnp.float32(v) for v in _ATAN_COEF]
    ax = jnp.abs(px)
    ay = jnp.abs(py)
    mn = jnp.minimum(ax, ay)
    mx = jnp.maximum(ax, ay)
    z = mn / mx
    z = jnp.where(mx == jnp.float32(0.0), jnp.float32(0.0), z)
    u = z * z
    u2 = u * u
    u4 = u2 * u2
    u8 = u4 * u4
    a01 = c[0] + c[1] * u
    a23 = c[2] + c[3] * u
    a45 = c[4] + c[5] * u
    a67 = c[6] + c[7] * u
    a89 = c[8] + c[9] * u
    p = (a01 + a23 * u2) + (a45 + a67 * u2) * u4 + a89 * u8
    a = p * z
    a = jnp.where(ay > ax, HALF_PI - a, a)
    a = jnp.where(px < jnp.float32(0.0), PI - a, a)
    a = jnp.where(py < jnp.float32(0.0), -a, a)
    return a


def _make_sc_kernel():
    mesh = plsc.VectorSubcoreMesh(core_axis_name="c", subcore_axis_name="s")

    @functools.partial(
        pl.kernel,
        mesh=mesh,
        compiler_params=pltpu.CompilerParams(
            use_tc_tiling_on_sc=False, needs_layout_passes=False
        ),
        out_type=[
            jax.ShapeDtypeStruct((B * 24,), jnp.float32),
            jax.ShapeDtypeStruct((B * N,), jnp.float32),
        ],
        scratch_types=[
            pltpu.VMEM((2, BLKW), jnp.float32),
            pltpu.VMEM((40, LANES), jnp.float32),
            pltpu.VMEM((LANES * N,), jnp.float32),
            pltpu.VMEM((LANES * 24,), jnp.float32),
            pltpu.SemaphoreType.DMA,
            pltpu.SemaphoreType.DMA,
            pltpu.SemaphoreType.DMA,
            pltpu.SemaphoreType.DMA,
            pltpu.SemaphoreType.DMA,
            pltpu.SemaphoreType.DMA,
            pltpu.SemaphoreType.DMA,
            pltpu.SemaphoreType.DMA,
        ],
    )
    def sc_kernel(nei_hbm, sc_hbm, fdir_hbm, inbuf, acc, fdirb, outb,
                  sem0, sem1, sem2, sem3, sem4, sem5, sem6, sem7):
        num_cores = 2
        wid = lax.axis_index("s") * num_cores + lax.axis_index("c")
        base = wid * AGENTS_PER_TILE

        iota16 = lax.iota(jnp.int32, LANES)
        ones = jnp.ones((LANES,), jnp.float32)
        zeros = jnp.zeros((LANES,), jnp.float32)
        zero16 = jnp.zeros((LANES,), jnp.int32)
        oidx = [iota16 * 24 + cc for cc in range(24)]
        fidx0 = iota16 * N
        sems = ((sem0, sem1, sem2, sem3), (sem4, sem5, sem6, sem7))
        SUB = 4
        SUBW = BLKW // SUB

        def start_in(i, slot):
            for k in range(SUB):
                pltpu.make_async_copy(
                    nei_hbm.at[pl.ds((base + i * LANES) * ROW + k * SUBW, SUBW)],
                    inbuf.at[slot, pl.ds(k * SUBW, SUBW)],
                    sems[slot][k],
                ).start()

        def wait_in(i, slot):
            for k in range(SUB):
                pltpu.make_async_copy(
                    nei_hbm.at[pl.ds((base + i * LANES) * ROW + k * SUBW, SUBW)],
                    inbuf.at[slot, pl.ds(k * SUBW, SUBW)],
                    sems[slot][k],
                ).wait()

        def process(i, slot):
            b0 = base + i * LANES
            buf = inbuf.at[slot]
            for col in range(36):
                acc[col, :] = zeros

            def one_neighbor(n, nv):
                w = n * WORDS
                v = [buf[pl.ds(j * ROW + w, LANES)] for j in range(WORDS)]
                s1 = [v[2 * k] + v[2 * k + 1] for k in range(8)]
                s2 = [s1[2 * k] + s1[2 * k + 1] for k in range(4)]
                s3 = [s2[0] + s2[1], s2[2] + s2[3]]
                s = s3[0] + s3[1]
                valid = jnp.abs(s) > jnp.float32(1e-6)
                px = v[14]
                py = v[15]
                dx = px - v[0]
                dy = py - v[1]
                fvel = dx * dx + dy * dy
                fdist = px * px + py * py
                fdir = jnp.minimum(jnp.abs(px), jnp.float32(6.0))
                ai = (fdir / BIN_W).astype(jnp.int32)
                col0 = lax.shift_left(ai, 2)
                plsc.addupdate_scatter(acc, [col0, iota16], fvel + fdist, mask=valid)
                plsc.store_scatter(fdirb, [fidx0 + nv], fdir)
                return nv + 1

            if True:
                pass
            else:
                @plsc.parallel_loop(0, N, unroll=4, carry=zero16)
                def _loop(n, nv):
                    return one_neighbor(n, nv)

            for p_ in range(8):
                nrm = acc[p_ * 4, :] + jnp.float32(1e-4)
                for f_ in range(3):
                    val = acc[p_ * 4 + 1 + f_, :] / nrm
                    plsc.store_scatter(outb, [oidx[p_ * 3 + f_]], val)
            pltpu.sync_copy(outb, sc_hbm.at[pl.ds(b0 * 24, LANES * 24)])
            pltpu.sync_copy(fdirb, fdir_hbm.at[pl.ds(b0 * N, LANES * N)])

        start_in(0, 0)

        def outer(j, _):
            i0 = 2 * j
            wait_in(i0, 0)
            start_in(i0 + 1, 1)
            process(i0, 0)
            wait_in(i0 + 1, 1)

            @pl.when(i0 + 2 < 2)
            def _():
                start_in(i0 + 2, 0)

            process(i0 + 1, 1)
            return _

        lax.fori_loop(0, 1, outer, None)

    return sc_kernel


def kernel(trajs, nei_trajs):
    del trajs
    nei_flat = nei_trajs.reshape(B * ROW)
    sc_flat, fdir = _make_sc_kernel()(nei_flat)
    return sc_flat.reshape(B, 8, 3), fdir.reshape(B, N)

# --- scband reference (transcript-rebuilt; emitter-appended) ---
"""Pipeline reference for scband-social-circle-layer-73048803770821 (READ-ONLY COPY).

The authoritative reference and input builder live on the scoring server;
editing this copy changes nothing except your own understanding.
"""

import jax, jax.numpy as jnp
import numpy as np

PARTITIONS = 8
MAX_PARTITIONS = 8


def get_mask(x, dtype=jnp.int32):
    # valid-neighbor mask: zero-padded neighbors have an all-zero trajectory sum
    return (jnp.abs(x) > 1e-6).astype(dtype)


def setup_inputs(seed: int = 0) -> dict:
    key = jax.random.key(seed)
    k1, k2 = jax.random.split(key)
    trajs = jax.random.normal(k1, (16384, 8, 2), dtype=jnp.float32)
    nei_trajs = jax.random.normal(k2, (16384, 128, 8, 2), dtype=jnp.float32)
    return {"trajs": trajs, "nei_trajs": nei_trajs}


def reference(trajs, nei_trajs):
    obs_vector = trajs[..., -1:, :] - trajs[..., 0:1, :]          # [B, 1, 2]
    nei_vector = nei_trajs[..., -1, :] - nei_trajs[..., 0, :]     # [B, N, 2]
    nei_posion_vector = nei_trajs[..., -1, :]                     # [B, N, 2]

    # use_velocity=True, relative_velocity=False
    f_velocity = jnp.linalg.norm(nei_vector, axis=-1)             # [B, N]

    # use_distance=True
    f_distance = jnp.linalg.norm(nei_posion_vector, axis=-1)      # [B, N]

    # direction (tf.atan2(x=v[...,0], y=v[...,1]) == atan2(y=v[...,1], x=v[...,0]))
    f_direction = jnp.arctan2(nei_posion_vector[..., 1], nei_posion_vector[..., 0])
    f_direction = jnp.mod(f_direction, 2.0 * np.pi)               # [B, N]

    angle_indices = f_direction / (2.0 * np.pi / PARTITIONS)
    angle_indices = angle_indices.astype(jnp.int32)

    nei_mask = get_mask(jnp.sum(nei_trajs, axis=(-1, -2)), jnp.int32)  # [B, N]
    angle_indices = angle_indices * nei_mask + (-1) * (1 - nei_mask)

    circles = []
    for ang in range(PARTITIONS):
        _mask = (angle_indices == ang).astype(jnp.float32)        # [B, N]
        _mask_count = jnp.sum(_mask, axis=-1)                     # [B]
        n = _mask_count + 0.0001
        row = []
        row.append(jnp.sum(f_velocity * _mask, axis=-1) / n)
        row.append(jnp.sum(f_distance * _mask, axis=-1) / n)
        row.append(jnp.sum(f_direction * _mask, axis=-1) / n)
        circles.append(jnp.stack(row, axis=0))                    # [3, B]

    social_circle = jnp.stack(circles, axis=0).astype(jnp.float32)  # [P, 3, B]
    social_circle = jnp.transpose(social_circle, (2, 0, 1))          # [B, P, 3]

    # max_partitions == partitions -> no padding
    return social_circle, f_direction

if __name__ == "__main__":
    import jax
    _d = setup_inputs()
    print(jax.jit(kernel)(*tuple(_d.values())))

</pallas_src>

<mosaic_0001>
#map = affine_map<(d0, d1) -> (0)>
module attributes {stable_mosaic.version = 14 : i64} {
  func.func @sc_kernel(%arg0: i32, %arg1: i32, %arg2: memref<33554432xf32, #tpu.memory_space<hbm>>, %arg3: memref<393216xf32, #tpu.memory_space<hbm>>, %arg4: memref<2097152xf32, #tpu.memory_space<hbm>>, %arg5: memref<2x32768xf32, #tpu.memory_space<vmem>>, %arg6: memref<40x16xf32, #tpu.memory_space<vmem>>, %arg7: memref<2048xf32, #tpu.memory_space<vmem>>, %arg8: memref<384xf32, #tpu.memory_space<vmem>>, %arg9: memref<!tpu.dma_semaphore, #tpu.memory_space<semaphore_mem>>, %arg10: memref<!tpu.dma_semaphore, #tpu.memory_space<semaphore_mem>>, %arg11: memref<!tpu.dma_semaphore, #tpu.memory_space<semaphore_mem>>, %arg12: memref<!tpu.dma_semaphore, #tpu.memory_space<semaphore_mem>>, %arg13: memref<!tpu.dma_semaphore, #tpu.memory_space<semaphore_mem>>, %arg14: memref<!tpu.dma_semaphore, #tpu.memory_space<semaphore_mem>>, %arg15: memref<!tpu.dma_semaphore, #tpu.memory_space<semaphore_mem>>, %arg16: memref<!tpu.dma_semaphore, #tpu.memory_space<semaphore_mem>>) attributes {dimension_semantics = [#tpu.dimension_semantics<core_parallel>, #tpu.dimension_semantics<subcore_parallel>], iteration_bounds = array<i64: 2, 16>, scalar_prefetch = 0 : i64, scratch_operands = 12 : i64, tpu.core_type = #tpu.core_type<sc_vector_subcore>, window_params = [{transform_indices = #map}, {transform_indices = #map}, {transform_indices = #map}]} {
    %mul3A = arith.constant 2 : i32
    %mul3A_0 = arith.muli %arg1, %mul3A : i32
    %add3A = arith.addi %mul3A_0, %arg0 : i32
    %mul3A_1 = arith.constant 512 : i32
    %mul3A_2 = arith.muli %add3A, %mul3A_1 : i32
    %iota3A = tpu.iota {dimensions = array<i32: 0>} : vector<16xi32>
    %broadcast_in_dim3A = arith.constant 1.000000e+00 : f32
    %broadcast_in_dim3A_3 = vector.broadcast %broadcast_in_dim3A : f32 to vector<16xf32>
    %broadcast_in_dim3A_4 = arith.constant 0.000000e+00 : f32
    %broadcast_in_dim3A_5 = vector.broadcast %broadcast_in_dim3A_4 : f32 to vector<16xf32>
    %broadcast_in_dim3A_6 = arith.constant 0 : i32
    %broadcast_in_dim3A_7 = vector.broadcast %broadcast_in_dim3A_6 : i32 to vector<16xi32>
    %mul3A_8 = arith.constant 24 : i32
    %mul3A_9 = vector.broadcast %mul3A_8 : i32 to vector<16xi32>
    %mul3A_10 = arith.muli %iota3A, %mul3A_9 : vector<16xi32>
    %add3A_11 = arith.constant 0 : i32
    %add3A_12 = vector.broadcast %add3A_11 : i32 to vector<16xi32>
    %add3A_13 = arith.addi %mul3A_10, %add3A_12 : vector<16xi32>
    %mul3A_14 = arith.constant 24 : i32
    %mul3A_15 = vector.broadcast %mul3A_14 : i32 to vector<16xi32>
    %mul3A_16 = arith.muli %iota3A, %mul3A_15 : vector<16xi32>
    %add3A_17 = arith.constant 1 : i32
    %add3A_18 = vector.broadcast %add3A_17 : i32 to vector<16xi32>
    %add3A_19 = arith.addi %mul3A_16, %add3A_18 : vector<16xi32>
    %mul3A_20 = arith.constant 24 : i32
    %mul3A_21 = vector.broadcast %mul3A_20 : i32 to vector<16xi32>
    %mul3A_22 = arith.muli %iota3A, %mul3A_21 : vector<16xi32>
    %add3A_23 = arith.constant 2 : i32
    %add3A_24 = vector.broadcast %add3A_23 : i32 to vector<16xi32>
    %add3A_25 = arith.addi %mul3A_22, %add3A_24 : vector<16xi32>
    %mul3A_26 = arith.constant 24 : i32
    %mul3A_27 = vector.broadcast %mul3A_26 : i32 to vector<16xi32>
    %mul3A_28 = arith.muli %iota3A, %mul3A_27 : vector<16xi32>
    %add3A_29 = arith.constant 3 : i32
    %add3A_30 = vector.broadcast %add3A_29 : i32 to vector<16xi32>
    %add3A_31 = arith.addi %mul3A_28, %add3A_30 : vector<16xi32>
    %mul3A_32 = arith.constant 24 : i32
    %mul3A_33 = vector.broadcast %mul3A_32 : i32 to vector<16xi32>
    %mul3A_34 = arith.muli %iota3A, %mul3A_33 : vector<16xi32>
    %add3A_35 = arith.constant 4 : i32
    %add3A_36 = vector.broadcast %add3A_35 : i32 to vector<16xi32>
    %add3A_37 = arith.addi %mul3A_34, %add3A_36 : vector<16xi32>
    %mul3A_38 = arith.constant 24 : i32
    %mul3A_39 = vector.broadcast %mul3A_38 : i32 to vector<16xi32>
    %mul3A_40 = arith.muli %iota3A, %mul3A_39 : vector<16xi32>
    %add3A_41 = arith.constant 5 : i32
    %add3A_42 = vector.broadcast %add3A_41 : i32 to vector<16xi32>
    %add3A_43 = arith.addi %mul3A_40, %add3A_42 : vector<16xi32>
    %mul3A_44 = arith.constant 24 : i32
    %mul3A_45 = vector.broadcast %mul3A_44 : i32 to vector<16xi32>
    %mul3A_46 = arith.muli %iota3A, %mul3A_45 : vector<16xi32>
    %add3A_47 = arith.constant 6 : i32
    %add3A_48 = vector.broadcast %add3A_47 : i32 to vector<16xi32>
    %add3A_49 = arith.addi %mul3A_46, %add3A_48 : vector<16xi32>
    %mul3A_50 = arith.constant 24 : i32
    %mul3A_51 = vector.broadcast %mul3A_50 : i32 to vector<16xi32>
    %mul3A_52 = arith.muli %iota3A, %mul3A_51 : vector<16xi32>
    %add3A_53 = arith.constant 7 : i32
    %add3A_54 = vector.broadcast %add3A_53 : i32 to vector<16xi32>
    %add3A_55 = arith.addi %mul3A_52, %add3A_54 : vector<16xi32>
    %mul3A_56 = arith.constant 24 : i32
    %mul3A_57 = vector.broadcast %mul3A_56 : i32 to vector<16xi32>
    %mul3A_58 = arith.muli %iota3A, %mul3A_57 : vector<16xi32>
    %add3A_59 = arith.constant 8 : i32
    %add3A_60 = vector.broadcast %add3A_59 : i32 to vector<16xi32>
    %add3A_61 = arith.addi %mul3A_58, %add3A_60 : vector<16xi32>
    %mul3A_62 = arith.constant 24 : i32
    %mul3A_63 = vector.broadcast %mul3A_62 : i32 to vector<16xi32>
    %mul3A_64 = arith.muli %iota3A, %mul3A_63 : vector<16xi32>
    %add3A_65 = arith.constant 9 : i32
    %add3A_66 = vector.broadcast %add3A_65 : i32 to vector<16xi32>
    %add3A_67 = arith.addi %mul3A_64, %add3A_66 : vector<16xi32>
    %mul3A_68 = arith.constant 24 : i32
    %mul3A_69 = vector.broadcast %mul3A_68 : i32 to vector<16xi32>
    %mul3A_70 = arith.muli %iota3A, %mul3A_69 : vector<16xi32>
    %add3A_71 = arith.constant 10 : i32
    %add3A_72 = vector.broadcast %add3A_71 : i32 to vector<16xi32>
    %add3A_73 = arith.addi %mul3A_70, %add3A_72 : vector<16xi32>
    %mul3A_74 = arith.constant 24 : i32
    %mul3A_75 = vector.broadcast %mul3A_74 : i32 to vector<16xi32>
    %mul3A_76 = arith.muli %iota3A, %mul3A_75 : vector<16xi32>
    %add3A_77 = arith.constant 11 : i32
    %add3A_78 = vector.broadcast %add3A_77 : i32 to vector<16xi32>
    %add3A_79 = arith.addi %mul3A_76, %add3A_78 : vector<16xi32>
    %mul3A_80 = arith.constant 24 : i32
    %mul3A_81 = vector.broadcast %mul3A_80 : i32 to vector<16xi32>
    %mul3A_82 = arith.muli %iota3A, %mul3A_81 : vector<16xi32>
    %add3A_83 = arith.constant 12 : i32
    %add3A_84 = vector.broadcast %add3A_83 : i32 to vector<16xi32>
    %add3A_85 = arith.addi %mul3A_82, %add3A_84 : vector<16xi32>
    %mul3A_86 = arith.constant 24 : i32
    %mul3A_87 = vector.broadcast %mul3A_86 : i32 to vector<16xi32>
    %mul3A_88 = arith.muli %iota3A, %mul3A_87 : vector<16xi32>
    %add3A_89 = arith.constant 13 : i32
    %add3A_90 = vector.broadcast %add3A_89 : i32 to vector<16xi32>
    %add3A_91 = arith.addi %mul3A_88, %add3A_90 : vector<16xi32>
    %mul3A_92 = arith.constant 24 : i32
    %mul3A_93 = vector.broadcast %mul3A_92 : i32 to vector<16xi32>
    %mul3A_94 = arith.muli %iota3A, %mul3A_93 : vector<16xi32>
    %add3A_95 = arith.constant 14 : i32
    %add3A_96 = vector.broadcast %add3A_95 : i32 to vector<16xi32>
    %add3A_97 = arith.addi %mul3A_94, %add3A_96 : vector<16xi32>
    %mul3A_98 = arith.constant 24 : i32
    %mul3A_99 = vector.broadcast %mul3A_98 : i32 to vector<16xi32>
    %mul3A_100 = arith.muli %iota3A, %mul3A_99 : vector<16xi32>
    %add3A_101 = arith.constant 15 : i32
    %add3A_102 = vector.broadcast %add3A_101 : i32 to vector<16xi32>
    %add3A_103 = arith.addi %mul3A_100, %add3A_102 : vector<16xi32>
    %mul3A_104 = arith.constant 24 : i32
    %mul3A_105 = vector.broadcast %mul3A_104 : i32 to vector<16xi32>
    %mul3A_106 = arith.muli %iota3A, %mul3A_105 : vector<16xi32>
    %add3A_107 = arith.constant 16 : i32
    %add3A_108 = vector.broadcast %add3A_107 : i32 to vector<16xi32>
    %add3A_109 = arith.addi %mul3A_106, %add3A_108 : vector<16xi32>
    %mul3A_110 = arith.constant 24 : i32
    %mul3A_111 = vector.broadcast %mul3A_110 : i32 to vector<16xi32>
    %mul3A_112 = arith.muli %iota3A, %mul3A_111 : vector<16xi32>
    %add3A_113 = arith.constant 17 : i32
    %add3A_114 = vector.broadcast %add3A_113 : i32 to vector<16xi32>
    %add3A_115 = arith.addi %mul3A_112, %add3A_114 : vector<16xi32>
    %mul3A_116 = arith.constant 24 : i32
    %mul3A_117 = vector.broadcast %mul3A_116 : i32 to vector<16xi32>
    %mul3A_118 = arith.muli %iota3A, %mul3A_117 : vector<16xi32>
    %add3A_119 = arith.constant 18 : i32
    %add3A_120 = vector.broadcast %add3A_119 : i32 to vector<16xi32>
    %add3A_121 = arith.addi %mul3A_118, %add3A_120 : vector<16xi32>
    %mul3A_122 = arith.constant 24 : i32
    %mul3A_123 = vector.broadcast %mul3A_122 : i32 to vector<16xi32>
    %mul3A_124 = arith.muli %iota3A, %mul3A_123 : vector<16xi32>
    %add3A_125 = arith.constant 19 : i32
    %add3A_126 = vector.broadcast %add3A_125 : i32 to vector<16xi32>
    %add3A_127 = arith.addi %mul3A_124, %add3A_126 : vector<16xi32>
    %mul3A_128 = arith.constant 24 : i32
    %mul3A_129 = vector.broadcast %mul3A_128 : i32 to vector<16xi32>
    %mul3A_130 = arith.muli %iota3A, %mul3A_129 : vector<16xi32>
    %add3A_131 = arith.constant 20 : i32
    %add3A_132 = vector.broadcast %add3A_131 : i32 to vector<16xi32>
    %add3A_133 = arith.addi %mul3A_130, %add3A_132 : vector<16xi32>
    %mul3A_134 = arith.constant 24 : i32
    %mul3A_135 = vector.broadcast %mul3A_134 : i32 to vector<16xi32>
    %mul3A_136 = arith.muli %iota3A, %mul3A_135 : vector<16xi32>
    %add3A_137 = arith.constant 21 : i32
    %add3A_138 = vector.broadcast %add3A_137 : i32 to vector<16xi32>
    %add3A_139 = arith.addi %mul3A_136, %add3A_138 : vector<16xi32>
    %mul3A_140 = arith.constant 24 : i32
    %mul3A_141 = vector.broadcast %mul3A_140 : i32 to vector<16xi32>
    %mul3A_142 = arith.muli %iota3A, %mul3A_141 : vector<16xi32>
    %add3A_143 = arith.constant 22 : i32
    %add3A_144 = vector.broadcast %add3A_143 : i32 to vector<16xi32>
    %add3A_145 = arith.addi %mul3A_142, %add3A_144 : vector<16xi32>
    %mul3A_146 = arith.constant 24 : i32
    %mul3A_147 = vector.broadcast %mul3A_146 : i32 to vector<16xi32>
    %mul3A_148 = arith.muli %iota3A, %mul3A_147 : vector<16xi32>
    %add3A_149 = arith.constant 23 : i32
    %add3A_150 = vector.broadcast %add3A_149 : i32 to vector<16xi32>
    %add3A_151 = arith.addi %mul3A_148, %add3A_150 : vector<16xi32>
    %mul3A_152 = arith.constant 128 : i32
    %mul3A_153 = vector.broadcast %mul3A_152 : i32 to vector<16xi32>
    %mul3A_154 = arith.muli %iota3A, %mul3A_153 : vector<16xi32>
    %add3A_155 = arith.constant 0 : i32
    %add3A_156 = arith.addi %mul3A_2, %add3A_155 : i32
    %mul3A_157 = arith.constant 2048 : i32
    %mul3A_158 = arith.muli %add3A_156, %mul3A_157 : i32
    %add3A_159 = arith.constant 0 : i32
    %add3A_160 = arith.addi %mul3A_158, %add3A_159 : i32
    %dma_start3A = arith.constant 0 : i32
    %dma_start3A_161 = arith.constant 0 : i32
    %dma_start3A_162 = tpu.memref_slice %arg5[%dma_start3A, %dma_start3A_161] : memref<2x32768xf32, #tpu.memory_space<vmem>> -> memref<1x8192xf32, #tpu.memory_space<vmem>>
    %dma_start3A_163 = tpu.memref_squeeze %dma_start3A_162 : memref<1x8192xf32, #tpu.memory_space<vmem>> -> memref<8192xf32, #tpu.memory_space<vmem>>
    %dma_start3A_164 = tpu.memref_slice %arg2[%add3A_160] : memref<33554432xf32, #tpu.memory_space<hbm>> -> memref<8192xf32, #tpu.memory_space<hbm>>
    %dma_start3A_165 = arith.constant 0 : i32
    %dma_start3A_166 = tpu.memref_slice %arg5[%dma_start3A, %dma_start3A_165] : memref<2x32768xf32, #tpu.memory_space<vmem>> -> memref<1x8192xf32, #tpu.memory_space<vmem>>
    %dma_start3A_167 = tpu.memref_squeeze %dma_start3A_166 : memref<1x8192xf32, #tpu.memory_space<vmem>> -> memref<8192xf32, #tpu.memory_space<vmem>>
    %dma_start3A_168 = tpu.memref_slice %arg2[%add3A_160] : memref<33554432xf32, #tpu.memory_space<hbm>> -> memref<8192xf32, #tpu.memory_space<hbm>>
    tpu.enqueue_dma source(%dma_start3A_168 : memref<8192xf32, #tpu.memory_space<hbm>>) target(%dma_start3A_167 : memref<8192xf32, #tpu.memory_space<vmem>>) target_semaphore(%arg9 : memref<!tpu.dma_semaphore, #tpu.memory_space<semaphore_mem>>)
    %add3A_169 = arith.constant 0 : i32
    %add3A_170 = arith.addi %mul3A_2, %add3A_169 : i32
    %mul3A_171 = arith.constant 2048 : i32
    %mul3A_172 = arith.muli %add3A_170, %mul3A_171 : i32
    %add3A_173 = arith.constant 8192 : i32
    %add3A_174 = arith.addi %mul3A_172, %add3A_173 : i32
    %dma_start3A_175 = arith.constant 0 : i32
    %dma_start3A_176 = arith.constant 8192 : i32
    %dma_start3A_177 = tpu.memref_slice %arg5[%dma_start3A_175, %dma_start3A_176] : memref<2x32768xf32, #tpu.memory_space<vmem>> -> memref<1x8192xf32, #tpu.memory_space<vmem>>
    %dma_start3A_178 = tpu.memref_squeeze %dma_start3A_177 : memref<1x8192xf32, #tpu.memory_space<vmem>> -> memref<8192xf32, #tpu.memory_space<vmem>>
    %dma_start3A_179 = tpu.memref_slice %arg2[%add3A_174] : memref<33554432xf32, #tpu.memory_space<hbm>> -> memref<8192xf32, #tpu.memory_space<hbm>>
    %dma_start3A_180 = arith.constant 8192 : i32
    %dma_start3A_181 = tpu.memref_slice %arg5[%dma_start3A_175, %dma_start3A_180] : memref<2x32768xf32, #tpu.memory_space<vmem>> -> memref<1x8192xf32, #tpu.memory_space<vmem>>
    %dma_start3A_182 = tpu.memref_squeeze %dma_start3A_181 : memref<1x8192xf32, #tpu.memory_space<vmem>> -> memref<8192xf32, #tpu.memory_space<vmem>>
    %dma_start3A_183 = tpu.memref_slice %arg2[%add3A_174] : memref<33554432xf32, #tpu.memory_space<hbm>> -> memref<8192xf32, #tpu.memory_space<hbm>>
    tpu.enqueue_dma source(%dma_start3A_183 : memref<8192xf32, #tpu.memory_space<hbm>>) target(%dma_start3A_182 : memref<8192xf32, #tpu.memory_space<vmem>>) target_semaphore(%arg10 : memref<!tpu.dma_semaphore, #tpu.memory_space<semaphore_mem>>)
    %add3A_184 = arith.constant 0 : i32
    %add3A_185 = arith.addi %mul3A_2, %add3A_184 : i32
    %mul3A_186 = arith.constant 2048 : i32
    %mul3A_187 = arith.muli %add3A_185, %mul3A_186 : i32
    %add3A_188 = arith.constant 16384 : i32
    %add3A_189 = arith.addi %mul3A_187, %add3A_188 : i32
    %dma_start3A_190 = arith.constant 0 : i32
    %dma_start3A_191 = arith.constant 16384 : i32
    %dma_start3A_192 = tpu.memref_slice %arg5[%dma_start3A_190, %dma_start3A_191] : memref<2x32768xf32, #tpu.memory_space<vmem>> -> memref<1x8192xf32, #tpu.memory_space<vmem>>
    %dma_start3A_193 = tpu.memref_squeeze %dma_start3A_192 : memref<1x8192xf32, #tpu.memory_space<vmem>> -> memref<8192xf32, #tpu.memory_space<vmem>>
    %dma_start3A_194 = tpu.memref_slice %arg2[%add3A_189] : memref<33554432xf32, #tpu.memory_space<hbm>> -> memref<8192xf32, #tpu.memory_space<hbm>>
    %dma_start3A_195 = arith.constant 16384 : i32
    %dma_start3A_196 = tpu.memref_slice %arg5[%dma_start3A_190, %dma_start3A_195] : memref<2x32768xf32, #tpu.memory_space<vmem>> -> memref<1x8192xf32, #tpu.memory_space<vmem>>
    %dma_start3A_197 = tpu.memref_squeeze %dma_start3A_196 : memref<1x8192xf32, #tpu.memory_space<vmem>> -> memref<8192xf32, #tpu.memory_space<vmem>>
    %dma_start3A_198 = tpu.memref_slice %arg2[%add3A_189] : memref<33554432xf32, #tpu.memory_space<hbm>> -> memref<8192xf32, #tpu.memory_space<hbm>>
    tpu.enqueue_dma source(%dma_start3A_198 : memref<8192xf32, #tpu.memory_space<hbm>>) target(%dma_start3A_197 : memref<8192xf32, #tpu.memory_space<vmem>>) target_semaphore(%arg11 : memref<!tpu.dma_semaphore, #tpu.memory_space<semaphore_mem>>)
    %add3A_199 = arith.constant 0 : i32
    %add3A_200 = arith.addi %mul3A_2, %add3A_199 : i32
    %mul3A_201 = arith.constant 2048 : i32
    %mul3A_202 = arith.muli %add3A_200, %mul3A_201 : i32
    %add3A_203 = arith.constant 24576 : i32
    %add3A_204 = arith.addi %mul3A_202, %add3A_203 : i32
    %dma_start3A_205 = arith.constant 0 : i32
    %dma_start3A_206 = arith.constant 24576 : i32
    %dma_start3A_207 = tpu.memref_slice %arg5[%dma_start3A_205, %dma_start3A_206] : memref<2x32768xf32, #tpu.memory_space<vmem>> -> memref<1x8192xf32, #tpu.memory_space<vmem>>
    %dma_start3A_208 = tpu.memref_squeeze %dma_start3A_207 : memref<1x8192xf32, #tpu.memory_space<vmem>> -> memref<8192xf32, #tpu.memory_space<vmem>>
    %dma_start3A_209 = tpu.memref_slice %arg2[%add3A_204] : memref<33554432xf32, #tpu.memory_space<hbm>> -> memref<8192xf32, #tpu.memory_space<hbm>>
    %dma_start3A_210 = arith.constant 24576 : i32
    %dma_start3A_211 = tpu.memref_slice %arg5[%dma_start3A_205, %dma_start3A_210] : memref<2x32768xf32, #tpu.memory_space<vmem>> -> memref<1x8192xf32, #tpu.memory_space<vmem>>
    %dma_start3A_212 = tpu.memref_squeeze %dma_start3A_211 : memref<1x8192xf32, #tpu.memory_space<vmem>> -> memref<8192xf32, #tpu.memory_space<vmem>>
    %dma_start3A_213 = tpu.memref_slice %arg2[%add3A_204] : memref<33554432xf32, #tpu.memory_space<hbm>> -> memref<8192xf32, #tpu.memory_space<hbm>>
    tpu.enqueue_dma source(%dma_start3A_213 : memref<8192xf32, #tpu.memory_space<hbm>>) target(%dma_start3A_212 : memref<8192xf32, #tpu.memory_space<vmem>>) target_semaphore(%arg12 : memref<!tpu.dma_semaphore, #tpu.memory_space<semaphore_mem>>)
    %scan3A = arith.constant 0 : i32
    %mul3A_214 = arith.constant 2 : i32
    %mul3A_215 = arith.muli %mul3A_214, %scan3A : i32
    %mul3A_216 = arith.constant 16 : i32
    %mul3A_217 = arith.muli %mul3A_215, %mul3A_216 : i32
    %add3A_218 = arith.addi %mul3A_2, %mul3A_217 : i32
    %mul3A_219 = arith.constant 2048 : i32
    %mul3A_220 = arith.muli %add3A_218, %mul3A_219 : i32
    %add3A_221 = arith.constant 0 : i32
    %add3A_222 = arith.addi %mul3A_220, %add3A_221 : i32
    %dma_wait3A = arith.constant 0 : i32
    %dma_wait3A_223 = arith.constant 0 : i32
    %dma_wait3A_224 = tpu.memref_slice %arg5[%dma_wait3A, %dma_wait3A_223] : memref<2x32768xf32, #tpu.memory_space<vmem>> -> memref<1x8192xf32, #tpu.memory_space<vmem>>
    %dma_wait3A_225 = tpu.memref_squeeze %dma_wait3A_224 : memref<1x8192xf32, #tpu.memory_space<vmem>> -> memref<8192xf32, #tpu.memory_space<vmem>>
    %dma_wait3A_226 = tpu.memref_slice %arg2[%add3A_222] : memref<33554432xf32, #tpu.memory_space<hbm>> -> memref<8192xf32, #tpu.memory_space<hbm>>
    %dma_wait3A_227 = arith.constant 0 : i32
    %dma_wait3A_228 = tpu.memref_slice %arg5[%dma_wait3A, %dma_wait3A_227] : memref<2x32768xf32, #tpu.memory_space<vmem>> -> memref<1x8192xf32, #tpu.memory_space<vmem>>
    %dma_wait3A_229 = tpu.memref_squeeze %dma_wait3A_228 : memref<1x8192xf32, #tpu.memory_space<vmem>> -> memref<8192xf32, #tpu.memory_space<vmem>>
    %dma_wait3A_230 = tpu.memref_slice %arg2[%add3A_222] : memref<33554432xf32, #tpu.memory_space<hbm>> -> memref<8192xf32, #tpu.memory_space<hbm>>
    tpu.wait_dma2 semaphore(%arg9 : memref<!tpu.dma_semaphore, #tpu.memory_space<semaphore_mem>>) src(%dma_wait3A_230 : memref<8192xf32, #tpu.memory_space<hbm>>) dst(%dma_wait3A_229 : memref<8192xf32, #tpu.memory_space<vmem>>)
    %mul3A_231 = arith.constant 16 : i32
    %mul3A_232 = arith.muli %mul3A_215, %mul3A_231 : i32
    %add3A_233 = arith.addi %mul3A_2, %mul3A_232 : i32
    %mul3A_234 = arith.constant 2048 : i32
    %mul3A_235 = arith.muli %add3A_233, %mul3A_234 : i32
    %add3A_236 = arith.constant 8192 : i32
    %add3A_237 = arith.addi %mul3A_235, %add3A_236 : i32
    %dma_wait3A_238 = arith.constant 0 : i32
    %dma_wait3A_239 = arith.constant 8192 : i32
    %dma_wait3A_240 = tpu.memref_slice %arg5[%dma_wait3A_238, %dma_wait3A_239] : memref<2x32768xf32, #tpu.memory_space<vmem>> -> memref<1x8192xf32, #tpu.memory_space<vmem>>
    %dma_wait3A_241 = tpu.memref_squeeze %dma_wait3A_240 : memref<1x8192xf32, #tpu.memory_space<vmem>> -> memref<8192xf32, #tpu.memory_space<vmem>>
    %dma_wait3A_242 = tpu.memref_slice %arg2[%add3A_237] : memref<33554432xf32, #tpu.memory_space<hbm>> -> memref<8192xf32, #tpu.memory_space<hbm>>
    %dma_wait3A_243 = arith.constant 8192 : i32
    %dma_wait3A_244 = tpu.memref_slice %arg5[%dma_wait3A_238, %dma_wait3A_243] : memref<2x32768xf32, #tpu.memory_space<vmem>> -> memref<1x8192xf32, #tpu.memory_space<vmem>>
    %dma_wait3A_245 = tpu.memref_squeeze %dma_wait3A_244 : memref<1x8192xf32, #tpu.memory_space<vmem>> -> memref<8192xf32, #tpu.memory_space<vmem>>
    %dma_wait3A_246 = tpu.memref_slice %arg2[%add3A_237] : memref<33554432xf32, #tpu.memory_space<hbm>> -> memref<8192xf32, #tpu.memory_space<hbm>>
    tpu.wait_dma2 semaphore(%arg10 : memref<!tpu.dma_semaphore, #tpu.memory_space<semaphore_mem>>) src(%dma_wait3A_246 : memref<8192xf32, #tpu.memory_space<hbm>>) dst(%dma_wait3A_245 : memref<8192xf32, #tpu.memory_space<vmem>>)
    %mul3A_247 = arith.constant 16 : i32
    %mul3A_248 = arith.muli %mul3A_215, %mul3A_247 : i32
    %add3A_249 = arith.addi %mul3A_2, %mul3A_248 : i32
    %mul3A_250 = arith.constant 2048 : i32
    %mul3A_251 = arith.muli %add3A_249, %mul3A_250 : i32
    %add3A_252 = arith.constant 16384 : i32
    %add3A_253 = arith.addi %mul3A_251, %add3A_252 : i32
    %dma_wait3A_254 = arith.constant 0 : i32
    %dma_wait3A_255 = arith.constant 16384 : i32
    %dma_wait3A_256 = tpu.memref_slice %arg5[%dma_wait3A_254, %dma_wait3A_255] : memref<2x32768xf32, #tpu.memory_space<vmem>> -> memref<1x8192xf32, #tpu.memory_space<vmem>>
    %dma_wait3A_257 = tpu.memref_squeeze %dma_wait3A_256 : memref<1x8192xf32, #tpu.memory_space<vmem>> -> memref<8192xf32, #tpu.memory_space<vmem>>
    %dma_wait3A_258 = tpu.memref_slice %arg2[%add3A_253] : memref<33554432xf32, #tpu.memory_space<hbm>> -> memref<8192xf32, #tpu.memory_space<hbm>>
    %dma_wait3A_259 = arith.constant 16384 : i32
    %dma_wait3A_260 = tpu.memref_slice %arg5[%dma_wait3A_254, %dma_wait3A_259] : memref<2x32768xf32, #tpu.memory_space<vmem>> -> memref<1x8192xf32, #tpu.memory_space<vmem>>
    %dma_wait3A_261 = tpu.memref_squeeze %dma_wait3A_260 : memref<1x8192xf32, #tpu.memory_space<vmem>> -> memref<8192xf32, #tpu.memory_space<vmem>>
    %dma_wait3A_262 = tpu.memref_slice %arg2[%add3A_253] : memref<33554432xf32, #tpu.memory_space<hbm>> -> memref<8192xf32, #tpu.memory_space<hbm>>
    tpu.wait_dma2 semaphore(%arg11 : memref<!tpu.dma_semaphore, #tpu.memory_space<semaphore_mem>>) src(%dma_wait3A_262 : memref<8192xf32, #tpu.memory_space<hbm>>) dst(%dma_wait3A_261 : memref<8192xf32, #tpu.memory_space<vmem>>)
    %mul3A_263 = arith.constant 16 : i32
    %mul3A_264 = arith.muli %mul3A_215, %mul3A_263 : i32
    %add3A_265 = arith.addi %mul3A_2, %mul3A_264 : i32
    %mul3A_266 = arith.constant 2048 : i32
    %mul3A_267 = arith.muli %add3A_265, %mul3A_266 : i32
    %add3A_268 = arith.constant 24576 : i32
    %add3A_269 = arith.addi %mul3A_267, %add3A_268 : i32
    %dma_wait3A_270 = arith.constant 0 : i32
    %dma_wait3A_271 = arith.constant 24576 : i32
    %dma_wait3A_272 = tpu.memref_slice %arg5[%dma_wait3A_270, %dma_wait3A_271] : memref<2x32768xf32, #tpu.memory_space<vmem>> -> memref<1x8192xf32, #tpu.memory_space<vmem>>
    %dma_wait3A_273 = tpu.memref_squeeze %dma_wait3A_272 : memref<1x8192xf32, #tpu.memory_space<vmem>> -> memref<8192xf32, #tpu.memory_space<vmem>>
    %dma_wait3A_274 = tpu.memref_slice %arg2[%add3A_269] : memref<33554432xf32, #tpu.memory_space<hbm>> -> memref<8192xf32, #tpu.memory_space<hbm>>
    %dma_wait3A_275 = arith.constant 24576 : i32
    %dma_wait3A_276 = tpu.memref_slice %arg5[%dma_wait3A_270, %dma_wait3A_275] : memref<2x32768xf32, #tpu.memory_space<vmem>> -> memref<1x8192xf32, #tpu.memory_space<vmem>>
    %dma_wait3A_277 = tpu.memref_squeeze %dma_wait3A_276 : memref<1x8192xf32, #tpu.memory_space<vmem>> -> memref<8192xf32, #tpu.memory_space<vmem>>
    %dma_wait3A_278 = tpu.memref_slice %arg2[%add3A_269] : memref<33554432xf32, #tpu.memory_space<hbm>> -> memref<8192xf32, #tpu.memory_space<hbm>>
    tpu.wait_dma2 semaphore(%arg12 : memref<!tpu.dma_semaphore, #tpu.memory_space<semaphore_mem>>) src(%dma_wait3A_278 : memref<8192xf32, #tpu.memory_space<hbm>>) dst(%dma_wait3A_277 : memref<8192xf32, #tpu.memory_space<vmem>>)
    %add3A_279 = arith.constant 1 : i32
    %add3A_280 = arith.addi %mul3A_215, %add3A_279 : i32
    %mul3A_281 = arith.constant 16 : i32
    %mul3A_282 = arith.muli %add3A_280, %mul3A_281 : i32
    %add3A_283 = arith.addi %mul3A_2, %mul3A_282 : i32
    %mul3A_284 = arith.constant 2048 : i32
    %mul3A_285 = arith.muli %add3A_283, %mul3A_284 : i32
    %add3A_286 = arith.constant 0 : i32
    %add3A_287 = arith.addi %mul3A_285, %add3A_286 : i32
    %dma_start3A_288 = arith.constant 1 : i32
    %dma_start3A_289 = arith.constant 0 : i32
    %dma_start3A_290 = tpu.memref_slice %arg5[%dma_start3A_288, %dma_start3A_289] : memref<2x32768xf32, #tpu.memory_space<vmem>> -> memref<1x8192xf32, #tpu.memory_space<vmem>>
    %dma_start3A_291 = tpu.memref_squeeze %dma_start3A_290 : memref<1x8192xf32, #tpu.memory_space<vmem>> -> memref<8192xf32, #tpu.memory_space<vmem>>
    %dma_start3A_292 = tpu.memref_slice %arg2[%add3A_287] : memref<33554432xf32, #tpu.memory_space<hbm>> -> memref<8192xf32, #tpu.memory_space<hbm>>
    %dma_start3A_293 = arith.constant 0 : i32
    %dma_start3A_294 = tpu.memref_slice %arg5[%dma_start3A_288, %dma_start3A_293] : memref<2x32768xf32, #tpu.memory_space<vmem>> -> memref<1x8192xf32, #tpu.memory_space<vmem>>
    %dma_start3A_295 = tpu.memref_squeeze %dma_start3A_294 : memref<1x8192xf32, #tpu.memory_space<vmem>> -> memref<8192xf32, #tpu.memory_space<vmem>>
    %dma_start3A_296 = tpu.memref_slice %arg2[%add3A_287] : memref<33554432xf32, #tpu.memory_space<hbm>> -> memref<8192xf32, #tpu.memory_space<hbm>>
    tpu.enqueue_dma source(%dma_start3A_296 : memref<8192xf32, #tpu.memory_space<hbm>>) target(%dma_start3A_295 : memref<8192xf32, #tpu.memory_space<vmem>>) target_semaphore(%arg13 : memref<!tpu.dma_semaphore, #tpu.memory_space<semaphore_mem>>)
    %mul3A_297 = arith.constant 16 : i32
    %mul3A_298 = arith.muli %add3A_280, %mul3A_297 : i32
    %add3A_299 = arith.addi %mul3A_2, %mul3A_298 : i32
    %mul3A_300 = arith.constant 2048 : i32
    %mul3A_301 = arith.muli %add3A_299, %mul3A_300 : i32
    %add3A_302 = arith.constant 8192 : i32
    %add3A_303 = arith.addi %mul3A_301, %add3A_302 : i32
    %dma_start3A_304 = arith.constant 1 : i32
    %dma_start3A_305 = arith.constant 8192 : i32
    %dma_start3A_306 = tpu.memref_slice %arg5[%dma_start3A_304, %dma_start3A_305] : memref<2x32768xf32, #tpu.memory_space<vmem>> -> memref<1x8192xf32, #tpu.memory_space<vmem>>
    %dma_start3A_307 = tpu.memref_squeeze %dma_start3A_306 : memref<1x8192xf32, #tpu.memory_space<vmem>> -> memref<8192xf32, #tpu.memory_space<vmem>>
    %dma_start3A_308 = tpu.memref_slice %arg2[%add3A_303] : memref<33554432xf32, #tpu.memory_space<hbm>> -> memref<8192xf32, #tpu.memory_space<hbm>>
    %dma_start3A_309 = arith.constant 8192 : i32
    %dma_start3A_310 = tpu.memref_slice %arg5[%dma_start3A_304, %dma_start3A_309] : memref<2x32768xf32, #tpu.memory_space<vmem>> -> memref<1x8192xf32, #tpu.memory_space<vmem>>
    %dma_start3A_311 = tpu.memref_squeeze %dma_start3A_310 : memref<1x8192xf32, #tpu.memory_space<vmem>> -> memref<8192xf32, #tpu.memory_space<vmem>>
    %dma_start3A_312 = tpu.memref_slice %arg2[%add3A_303] : memref<33554432xf32, #tpu.memory_space<hbm>> -> memref<8192xf32, #tpu.memory_space<hbm>>
    tpu.enqueue_dma source(%dma_start3A_312 : memref<8192xf32, #tpu.memory_space<hbm>>) target(%dma_start3A_311 : memref<8192xf32, #tpu.memory_space<vmem>>) target_semaphore(%arg14 : memref<!tpu.dma_semaphore, #tpu.memory_space<semaphore_mem>>)
    %mul3A_313 = arith.constant 16 : i32
    %mul3A_314 = arith.muli %add3A_280, %mul3A_313 : i32
    %add3A_315 = arith.addi %mul3A_2, %mul3A_314 : i32
    %mul3A_316 = arith.constant 2048 : i32
    %mul3A_317 = arith.muli %add3A_315, %mul3A_316 : i32
    %add3A_318 = arith.constant 16384 : i32
    %add3A_319 = arith.addi %mul3A_317, %add3A_318 : i32
    %dma_start3A_320 = arith.constant 1 : i32
    %dma_start3A_321 = arith.constant 16384 : i32
    %dma_start3A_322 = tpu.memref_slice %arg5[%dma_start3A_320, %dma_start3A_321] : memref<2x32768xf32, #tpu.memory_space<vmem>> -> memref<1x8192xf32, #tpu.memory_space<vmem>>
    %dma_start3A_323 = tpu.memref_squeeze %dma_start3A_322 : memref<1x8192xf32, #tpu.memory_space<vmem>> -> memref<8192xf32, #tpu.memory_space<vmem>>
    %dma_start3A_324 = tpu.memref_slice %arg2[%add3A_319] : memref<33554432xf32, #tpu.memory_space<hbm>> -> memref<8192xf32, #tpu.memory_space<hbm>>
    %dma_start3A_325 = arith.constant 16384 : i32
    %dma_start3A_326 = tpu.memref_slice %arg5[%dma_start3A_320, %dma_start3A_325] : memref<2x32768xf32, #tpu.memory_space<vmem>> -> memref<1x8192xf32, #tpu.memory_space<vmem>>
    %dma_start3A_327 = tpu.memref_squeeze %dma_start3A_326 : memref<1x8192xf32, #tpu.memory_space<vmem>> -> memref<8192xf32, #tpu.memory_space<vmem>>
    %dma_start3A_328 = tpu.memref_slice %arg2[%add3A_319] : memref<33554432xf32, #tpu.memory_space<hbm>> -> memref<8192xf32, #tpu.memory_space<hbm>>
    tpu.enqueue_dma source(%dma_start3A_328 : memref<8192xf32, #tpu.memory_space<hbm>>) target(%dma_start3A_327 : memref<8192xf32, #tpu.memory_space<vmem>>) target_semaphore(%arg15 : memref<!tpu.dma_semaphore, #tpu.memory_space<semaphore_mem>>)
    %mul3A_329 = arith.constant 16 : i32
    %mul3A_330 = arith.muli %add3A_280, %mul3A_329 : i32
    %add3A_331 = arith.addi %mul3A_2, %mul3A_330 : i32
    %mul3A_332 = arith.constant 2048 : i32
    %mul3A_333 = arith.muli %add3A_331, %mul3A_332 : i32
    %add3A_334 = arith.constant 24576 : i32
    %add3A_335 = arith.addi %mul3A_333, %add3A_334 : i32
    %dma_start3A_336 = arith.constant 1 : i32
    %dma_start3A_337 = arith.constant 24576 : i32
    %dma_start3A_338 = tpu.memref_slice %arg5[%dma_start3A_336, %dma_start3A_337] : memref<2x32768xf32, #tpu.memory_space<vmem>> -> memref<1x8192xf32, #tpu.memory_space<vmem>>
    %dma_start3A_339 = tpu.memref_squeeze %dma_start3A_338 : memref<1x8192xf32, #tpu.memory_space<vmem>> -> memref<8192xf32, #tpu.memory_space<vmem>>
    %dma_start3A_340 = tpu.memref_slice %arg2[%add3A_335] : memref<33554432xf32, #tpu.memory_space<hbm>> -> memref<8192xf32, #tpu.memory_space<hbm>>
    %dma_start3A_341 = arith.constant 24576 : i32
    %dma_start3A_342 = tpu.memref_slice %arg5[%dma_start3A_336, %dma_start3A_341] : memref<2x32768xf32, #tpu.memory_space<vmem>> -> memref<1x8192xf32, #tpu.memory_space<vmem>>
    %dma_start3A_343 = tpu.memref_squeeze %dma_start3A_342 : memref<1x8192xf32, #tpu.memory_space<vmem>> -> memref<8192xf32, #tpu.memory_space<vmem>>
    %dma_start3A_344 = tpu.memref_slice %arg2[%add3A_335] : memref<33554432xf32, #tpu.memory_space<hbm>> -> memref<8192xf32, #tpu.memory_space<hbm>>
    tpu.enqueue_dma source(%dma_start3A_344 : memref<8192xf32, #tpu.memory_space<hbm>>) target(%dma_start3A_343 : memref<8192xf32, #tpu.memory_space<vmem>>) target_semaphore(%arg16 : memref<!tpu.dma_semaphore, #tpu.memory_space<semaphore_mem>>)
    %mul3A_345 = arith.constant 16 : i32
    %mul3A_346 = arith.muli %mul3A_215, %mul3A_345 : i32
    %add3A_347 = arith.addi %mul3A_2, %mul3A_346 : i32
    %swap3A = arith.constant 0 : i32
    %swap3A_348 = arith.index_cast %swap3A : i32 to index
    %swap3A_349 = arith.constant 0 : index
    %swap3A_350 = tpu.vector_load %arg6[%swap3A_348, %swap3A_349] {strides = array<i32>} : memref<40x16xf32, #tpu.memory_space<vmem>>, vector<16xf32>,
    tpu.vector_store %arg6[%swap3A_348, %swap3A_349], %broadcast_in_dim3A_5 {strides = array<i32>} : memref<40x16xf32, #tpu.memory_space<vmem>>, vector<16xf32>,
    %swap3A_351 = arith.constant 1 : i32
    %swap3A_352 = arith.index_cast %swap3A_351 : i32 to index
    %swap3A_353 = arith.constant 0 : index
    %swap3A_354 = tpu.vector_load %arg6[%swap3A_352, %swap3A_353] {strides = array<i32>} : memref<40x16xf32, #tpu.memory_space<vmem>>, vector<16xf32>,
    tpu.vector_store %arg6[%swap3A_352, %swap3A_353], %broadcast_in_dim3A_5 {strides = array<i32>} : memref<40x16xf32, #tpu.memory_space<vmem>>, vector<16xf32>,
    %swap3A_355 = arith.constant 2 : i32
    %swap3A_356 = arith.index_cast %swap3A_355 : i32 to index
    %swap3A_357 = arith.constant 0 : index
    %swap3A_358 = tpu.vector_load %arg6[%swap3A_356, %swap3A_357] {strides = array<i32>} : memref<40x16xf32, #tpu.memory_space<vmem>>, vector<16xf32>,
    tpu.vector_store %arg6[%swap3A_356, %swap3A_357], %broadcast_in_dim3A_5 {strides = array<i32>} : memref<40x16xf32, #tpu.memory_space<vmem>>, vector<16xf32>,
    %swap3A_359 = arith.constant 3 : i32
    %swap3A_360 = arith.index_cast %swap3A_359 : i32 to index
    %swap3A_361 = arith.constant 0 : index
    %swap3A_362 = tpu.vector_load %arg6[%swap3A_360, %swap3A_361] {strides = array<i32>} : memref<40x16xf32, #tpu.memory_space<vmem>>, vector<16xf32>,
    tpu.vector_store %arg6[%swap3A_360, %swap3A_361], %broadcast_in_dim3A_5 {strides = array<i32>} : memref<40x16xf32, #tpu.memory_space<vmem>>, vector<16xf32>,
    %swap3A_363 = arith.constant 4 : i32
    %swap3A_364 = arith.index_cast %swap3A_363 : i32 to index
    %swap3A_365 = arith.constant 0 : index
    %swap3A_366 = tpu.vector_load %arg6[%swap3A_364, %swap3A_365] {strides = array<i32>} : memref<40x16xf32, #tpu.memory_space<vmem>>, vector<16xf32>,
    tpu.vector_store %arg6[%swap3A_364, %swap3A_365], %broadcast_in_dim3A_5 {strides = array<i32>} : memref<40x16xf32, #tpu.memory_space<vmem>>, vector<16xf32>,
    %swap3A_367 = arith.constant 5 : i32
    %swap3A_368 = arith.index_cast %swap3A_367 : i32 to index
    %swap3A_369 = arith.constant 0 : index
    %swap3A_370 = tpu.vector_load %arg6[%swap3A_368, %swap3A_369] {strides = array<i32>} : memref<40x16xf32, #tpu.memory_space<vmem>>, vector<16xf32>,
    tpu.vector_store %arg6[%swap3A_368, %swap3A_369], %broadcast_in_dim3A_5 {strides = array<i32>} : memref<40x16xf32, #tpu.memory_space<vmem>>, vector<16xf32>,
    %swap3A_371 = arith.constant 6 : i32
    %swap3A_372 = arith.index_cast %swap3A_371 : i32 to index
    %swap3A_373 = arith.constant 0 : index
    %swap3A_374 = tpu.vector_load %arg6[%swap3A_372, %swap3A_373] {strides = array<i32>} : memref<40x16xf32, #tpu.memory_space<vmem>>, vector<16xf32>,
    tpu.vector_store %arg6[%swap3A_372, %swap3A_373], %broadcast_in_dim3A_5 {strides = array<i32>} : memref<40x16xf32, #tpu.memory_space<vmem>>, vector<16xf32>,
    %swap3A_375 = arith.constant 7 : i32
    %swap3A_376 = arith.index_cast %swap3A_375 : i32 to index
    %swap3A_377 = arith.constant 0 : index
    %swap3A_378 = tpu.vector_load %arg6[%swap3A_376, %swap3A_377] {strides = array<i32>} : memref<40x16xf32, #tpu.memory_space<vmem>>, vector<16xf32>,
    tpu.vector_store %arg6[%swap3A_376, %swap3A_377], %broadcast_in_dim3A_5 {strides = array<i32>} : memref<40x16xf32, #tpu.memory_space<vmem>>, vector<16xf32>,
    %swap3A_379 = arith.constant 8 : i32
    %swap3A_380 = arith.index_cast %swap3A_379 : i32 to index
    %swap3A_381 = arith.constant 0 : index
    %swap3A_382 = tpu.vector_load %arg6[%swap3A_380, %swap3A_381] {strides = array<i32>} : memref<40x16xf32, #tpu.memory_space<vmem>>, vector<16xf32>,
    tpu.vector_store %arg6[%swap3A_380, %swap3A_381], %broadcast_in_dim3A_5 {strides = array<i32>} : memref<40x16xf32, #tpu.memory_space<vmem>>, vector<16xf32>,
    %swap3A_383 = arith.constant 9 : i32
    %swap3A_384 = arith.index_cast %swap3A_383 : i32 to index
    %swap3A_385 = arith.constant 0 : index
    %swap3A_386 = tpu.vector_load %arg6[%swap3A_384, %swap3A_385] {strides = array<i32>} : memref<40x16xf32, #tpu.memory_space<vmem>>, vector<16xf32>,
    tpu.vector_store %arg6[%swap3A_384, %swap3A_385], %broadcast_in_dim3A_5 {strides = array<i32>} : memref<40x16xf32, #tpu.memory_space<vmem>>, vector<16xf32>,
    %swap3A_387 = arith.constant 10 : i32
    %swap3A_388 = arith.index_cast %swap3A_387 : i32 to index
    %swap3A_389 = arith.constant 0 : index
    %swap3A_390 = tpu.vector_load %arg6[%swap3A_388, %swap3A_389] {strides = array<i32>} : memref<40x16xf32, #tpu.memory_space<vmem>>, vector<16xf32>,
    tpu.vector_store %arg6[%swap3A_388, %swap3A_389], %broadcast_in_dim3A_5 {strides = array<i32>} : memref<40x16xf32, #tpu.memory_space<vmem>>, vector<16xf32>,
    %swap3A_391 = arith.constant 11 : i32
    %swap3A_392 = arith.index_cast %swap3A_391 : i32 to index
    %swap3A_393 = arith.constant 0 : index
    %swap3A_394 = tpu.vector_load %arg6[%swap3A_392, %swap3A_393] {strides = array<i32>} : memref<40x16xf32, #tpu.memory_space<vmem>>, vector<16xf32>,
    tpu.vector_store %arg6[%swap3A_392, %swap3A_393], %broadcast_in_dim3A_5 {strides = array<i32>} : memref<40x16xf32, #tpu.memory_space<vmem>>, vector<16xf32>,
    %swap3A_395 = arith.constant 12 : i32
    %swap3A_396 = arith.index_cast %swap3A_395 : i32 to index
    %swap3A_397 = arith.constant 0 : index
    %swap3A_398 = tpu.vector_load %arg6[%swap3A_396, %swap3A_397] {strides = array<i32>} : memref<40x16xf32, #tpu.memory_space<vmem>>, vector<16xf32>,
    tpu.vector_store %arg6[%swap3A_396, %swap3A_397], %broadcast_in_dim3A_5 {strides = array<i32>} : memref<40x16xf32, #tpu.memory_space<vmem>>, vector<16xf32>,
    %swap3A_399 = arith.constant 13 : i32
    %swap3A_400 = arith.index_cast %swap3A_399 : i32 to index
    %swap3A_401 = arith.constant 0 : index
    %swap3A_402 = tpu.vector_load %arg6[%swap3A_400, %swap3A_401] {strides = array<i32>} : memref<40x16xf32, #tpu.memory_space<vmem>>, vector<16xf32>,
    tpu.vector_store %arg6[%swap3A_400, %swap3A_401], %broadcast_in_dim3A_5 {strides = array<i32>} : memref<40x16xf32, #tpu.memory_space<vmem>>, vector<16xf32>,
    %swap3A_403 = arith.constant 14 : i32
    %swap3A_404 = arith.index_cast %swap3A_403 : i32 to index
    %swap3A_405 = arith.constant 0 : index
    %swap3A_406 = tpu.vector_load %arg6[%swap3A_404, %swap3A_405] {strides = array<i32>} : memref<40x16xf32, #tpu.memory_space<vmem>>, vector<16xf32>,
    tpu.vector_store %arg6[%swap3A_404, %swap3A_405], %broadcast_in_dim3A_5 {strides = array<i32>} : memref<40x16xf32, #tpu.memory_space<vmem>>, vector<16xf32>,
    %swap3A_407 = arith.constant 15 : i32
    %swap3A_408 = arith.index_cast %swap3A_407 : i32 to index
    %swap3A_409 = arith.constant 0 : index
    %swap3A_410 = tpu.vector_load %arg6[%swap3A_408, %swap3A_409] {strides = array<i32>} : memref<40x16xf32, #tpu.memory_space<vmem>>, vector<16xf32>,
    tpu.vector_store %arg6[%swap3A_408, %swap3A_409], %broadcast_in_dim3A_5 {strides = array<i32>} : memref<40x16xf32, #tpu.memory_space<vmem>>, vector<16xf32>,
    %swap3A_411 = arith.constant 16 : i32
    %swap3A_412 = arith.index_cast %swap3A_411 : i32 to index
    %swap3A_413 = arith.constant 0 : index
    %swap3A_414 = tpu.vector_load %arg6[%swap3A_412, %swap3A_413] {strides = array<i32>} : memref<40x16xf32, #tpu.memory_space<vmem>>, vector<16xf32>,
    tpu.vector_store %arg6[%swap3A_412, %swap3A_413], %broadcast_in_dim3A_5 {strides = array<i32>} : memref<40x16xf32, #tpu.memory_space<vmem>>, vector<16xf32>,
    %swap3A_415 = arith.constant 17 : i32
    %swap3A_416 = arith.index_cast %swap3A_415 : i32 to index
    %swap3A_417 = arith.constant 0 : index
    %swap3A_418 = tpu.vector_load %arg6[%swap3A_416, %swap3A_417] {strides = array<i32>} : memref<40x16xf32, #tpu.memory_space<vmem>>, vector<16xf32>,
    tpu.vector_store %arg6[%swap3A_416, %swap3A_417], %broadcast_in_dim3A_5 {strides = array<i32>} : memref<40x16xf32, #tpu.memory_space<vmem>>, vector<16xf32>,
    %swap3A_419 = arith.constant 18 : i32
    %swap3A_420 = arith.index_cast %swap3A_419 : i32 to index
    %swap3A_421 = arith.constant 0 : index
    %swap3A_422 = tpu.vector_load %arg6[%swap3A_420, %swap3A_421] {strides = array<i32>} : memref<40x16xf32, #tpu.memory_space<vmem>>, vector<16xf32>,
    tpu.vector_store %arg6[%swap3A_420, %swap3A_421], %broadcast_in_dim3A_5 {strides = array<i32>} : memref<40x16xf32, #tpu.memory_space<vmem>>, vector<16xf32>,
    %swap3A_423 = arith.constant 19 : i32
    %swap3A_424 = arith.index_cast %swap3A_423 : i32 to index
    %swap3A_425 = arith.constant 0 : index
    %swap3A_426 = tpu.vector_load %arg6[%swap3A_424, %swap3A_425] {strides = array<i32>} : memref<40x16xf32, #tpu.memory_space<vmem>>, vector<16xf32>,
    tpu.vector_store %arg6[%swap3A_424, %swap3A_425], %broadcast_in_dim3A_5 {strides = array<i32>} : memref<40x16xf32, #tpu.memory_space<vmem>>, vector<16xf32>,
    %swap3A_427 = arith.constant 20 : i32
    %swap3A_428 = arith.index_cast %swap3A_427 : i32 to index
    %swap3A_429 = arith.constant 0 : index
    %swap3A_430 = tpu.vector_load %arg6[%swap3A_428, %swap3A_429] {strides = array<i32>} : memref<40x16xf32, #tpu.memory_space<vmem>>, vector<16xf32>,
    tpu.vector_store %arg6[%swap3A_428, %swap3A_429], %broadcast_in_dim3A_5 {strides = array<i32>} : memref<40x16xf32, #tpu.memory_space<vmem>>, vector<16xf32>,
    %swap3A_431 = arith.constant 21 : i32
    %swap3A_432 = arith.index_cast %swap3A_431 : i32 to index
    %swap3A_433 = arith.constant 0 : index
    %swap3A_434 = tpu.vector_load %arg6[%swap3A_432, %swap3A_433] {strides = array<i32>} : memref<40x16xf32, #tpu.memory_space<vmem>>, vector<16xf32>,
    tpu.vector_store %arg6[%swap3A_432, %swap3A_433], %broadcast_in_dim3A_5 {strides = array<i32>} : memref<40x16xf32, #tpu.memory_space<vmem>>, vector<16xf32>,
    %swap3A_435 = arith.constant 22 : i32
    %swap3A_436 = arith.index_cast %swap3A_435 : i32 to index
    %swap3A_437 = arith.constant 0 : index
    %swap3A_438 = tpu.vector_load %arg6[%swap3A_436, %swap3A_437] {strides = array<i32>} : memref<40x16xf32, #tpu.memory_space<vmem>>, vector<16xf32>,
    tpu.vector_store %arg6[%swap3A_436, %swap3A_437], %broadcast_in_dim3A_5 {strides = array<i32>} : memref<40x16xf32, #tpu.memory_space<vmem>>, vector<16xf32>,
    %swap3A_439 = arith.constant 23 : i32
    %swap3A_440 = arith.index_cast %swap3A_439 : i32 to index
    %swap3A_441 = arith.constant 0 : index
    %swap3A_442 = tpu.vector_load %arg6[%swap3A_440, %swap3A_441] {strides = array<i32>} : memref<40x16xf32, #tpu.memory_space<vmem>>, vector<16xf32>,
    tpu.vector_store %arg6[%swap3A_440, %swap3A_441], %broadcast_in_dim3A_5 {strides = array<i32>} : memref<40x16xf32, #tpu.memory_space<vmem>>, vector<16xf32>,
    %swap3A_443 = arith.constant 24 : i32
    %swap3A_444 = arith.index_cast %swap3A_443 : i32 to index
    %swap3A_445 = arith.constant 0 : index
    %swap3A_446 = tpu.vector_load %arg6[%swap3A_444, %swap3A_445] {strides = array<i32>} : memref<40x16xf32, #tpu.memory_space<vmem>>, vector<16xf32>,
    tpu.vector_store %arg6[%swap3A_444, %swap3A_445], %broadcast_in_dim3A_5 {strides = array<i32>} : memref<40x16xf32, #tpu.memory_space<vmem>>, vector<16xf32>,
    %swap3A_447 = arith.constant 25 : i32
    %swap3A_448 = arith.index_cast %swap3A_447 : i32 to index
    %swap3A_449 = arith.constant 0 : index
    %swap3A_450 = tpu.vector_load %arg6[%swap3A_448, %swap3A_449] {strides = array<i32>} : memref<40x16xf32, #tpu.memory_space<vmem>>, vector<16xf32>,
    tpu.vector_store %arg6[%swap3A_448, %swap3A_449], %broadcast_in_dim3A_5 {strides = array<i32>} : memref<40x16xf32, #tpu.memory_space<vmem>>, vector<16xf32>,
    %swap3A_451 = arith.constant 26 : i32
    %swap3A_452 = arith.index_cast %swap3A_451 : i32 to index
    %swap3A_453 = arith.constant 0 : index
    %swap3A_454 = tpu.vector_load %arg6[%swap3A_452, %swap3A_453] {strides = array<i32>} : memref<40x16xf32, #tpu.memory_space<vmem>>, vector<16xf32>,
    tpu.vector_store %arg6[%swap3A_452, %swap3A_453], %broadcast_in_dim3A_5 {strides = array<i32>} : memref<40x16xf32, #tpu.memory_space<vmem>>, vector<16xf32>,
    %swap3A_455 = arith.constant 27 : i32
    %swap3A_456 = arith.index_cast %swap3A_455 : i32 to index
    %swap3A_457 = arith.constant 0 : index
    %swap3A_458 = tpu.vector_load %arg6[%swap3A_456, %swap3A_457] {strides = array<i32>} : memref<40x16xf32, #tpu.memory_space<vmem>>, vector<16xf32>,
    tpu.vector_store %arg6[%swap3A_456, %swap3A_457], %broadcast_in_dim3A_5 {strides = array<i32>} : memref<40x16xf32, #tpu.memory_space<vmem>>, vector<16xf32>,
    %swap3A_459 = arith.constant 28 : i32
    %swap3A_460 = arith.index_cast %swap3A_459 : i32 to index
    %swap3A_461 = arith.constant 0 : index
    %swap3A_462 = tpu.vector_load %arg6[%swap3A_460, %swap3A_461] {strides = array<i32>} : memref<40x16xf32, #tpu.memory_space<vmem>>, vector<16xf32>,
    tpu.vector_store %arg6[%swap3A_460, %swap3A_461], %broadcast_in_dim3A_5 {strides = array<i32>} : memref<40x16xf32, #tpu.memory_space<vmem>>, vector<16xf32>,
    %swap3A_463 = arith.constant 29 : i32
    %swap3A_464 = arith.index_cast %swap3A_463 : i32 to index
    %swap3A_465 = arith.constant 0 : index
    %swap3A_466 = tpu.vector_load %arg6[%swap3A_464, %swap3A_465] {strides = array<i32>} : memref<40x16xf32, #tpu.memory_space<vmem>>, vector<16xf32>,
    tpu.vector_store %arg6[%swap3A_464, %swap3A_465], %broadcast_in_dim3A_5 {strides = array<i32>} : memref<40x16xf32, #tpu.memory_space<vmem>>, vector<16xf32>,
    %swap3A_467 = arith.constant 30 : i32
    %swap3A_468 = arith.index_cast %swap3A_467 : i32 to index
    %swap3A_469 = arith.constant 0 : index
    %swap3A_470 = tpu.vector_load %arg6[%swap3A_468, %swap3A_469] {strides = array<i32>} : memref<40x16xf32, #tpu.memory_space<vmem>>, vector<16xf32>,
    tpu.vector_store %arg6[%swap3A_468, %swap3A_469], %broadcast_in_dim3A_5 {strides = array<i32>} : memref<40x16xf32, #tpu.memory_space<vmem>>, vector<16xf32>,
    %swap3A_471 = arith.constant 31 : i32
    %swap3A_472 = arith.index_cast %swap3A_471 : i32 to index
    %swap3A_473 = arith.constant 0 : index
    %swap3A_474 = tpu.vector_load %arg6[%swap3A_472, %swap3A_473] {strides = array<i32>} : memref<40x16xf32, #tpu.memory_space<vmem>>, vector<16xf32>,
    tpu.vector_store %arg6[%swap3A_472, %swap3A_473], %broadcast_in_dim3A_5 {strides = array<i32>} : memref<40x16xf32, #tpu.memory_space<vmem>>, vector<16xf32>,
    %swap3A_475 = arith.constant 32 : i32
    %swap3A_476 = arith.index_cast %swap3A_475 : i32 to index
    %swap3A_477 = arith.constant 0 : index
    %swap3A_478 = tpu.vector_load %arg6[%swap3A_476, %swap3A_477] {strides = array<i32>} : memref<40x16xf32, #tpu.memory_space<vmem>>, vector<16xf32>,
    tpu.vector_store %arg6[%swap3A_476, %swap3A_477], %broadcast_in_dim3A_5 {strides = array<i32>} : memref<40x16xf32, #tpu.memory_space<vmem>>, vector<16xf32>,
    %swap3A_479 = arith.constant 33 : i32
    %swap3A_480 = arith.index_cast %swap3A_479 : i32 to index
    %swap3A_481 = arith.constant 0 : index
    %swap3A_482 = tpu.vector_load %arg6[%swap3A_480, %swap3A_481] {strides = array<i32>} : memref<40x16xf32, #tpu.memory_space<vmem>>, vector<16xf32>,
    tpu.vector_store %arg6[%swap3A_480, %swap3A_481], %broadcast_in_dim3A_5 {strides = array<i32>} : memref<40x16xf32, #tpu.memory_space<vmem>>, vector<16xf32>,
    %swap3A_483 = arith.constant 34 : i32
    %swap3A_484 = arith.index_cast %swap3A_483 : i32 to index
    %swap3A_485 = arith.constant 0 : index
    %swap3A_486 = tpu.vector_load %arg6[%swap3A_484, %swap3A_485] {strides = array<i32>} : memref<40x16xf32, #tpu.memory_space<vmem>>, vector<16xf32>,
    tpu.vector_store %arg6[%swap3A_484, %swap3A_485], %broadcast_in_dim3A_5 {strides = array<i32>} : memref<40x16xf32, #tpu.memory_space<vmem>>, vector<16xf32>,
    %swap3A_487 = arith.constant 35 : i32
    %swap3A_488 = arith.index_cast %swap3A_487 : i32 to index
    %swap3A_489 = arith.constant 0 : index
    %swap3A_490 = tpu.vector_load %arg6[%swap3A_488, %swap3A_489] {strides = array<i32>} : memref<40x16xf32, #tpu.memory_space<vmem>>, vector<16xf32>,
    tpu.vector_store %arg6[%swap3A_488, %swap3A_489], %broadcast_in_dim3A_5 {strides = array<i32>} : memref<40x16xf32, #tpu.memory_space<vmem>>, vector<16xf32>,
    %get3A = arith.constant 0 : i32
    %get3A_491 = arith.index_cast %get3A : i32 to index
    %get3A_492 = arith.constant 0 : index
    %get3A_493 = tpu.vector_load %arg6[%get3A_491, %get3A_492] {strides = array<i32>} : memref<40x16xf32, #tpu.memory_space<vmem>>, vector<16xf32>,
    %add3A_494 = arith.constant 9.99999974E-5 : f32
    %add3A_495 = vector.broadcast %add3A_494 : f32 to vector<16xf32>
    %add3A_496 = arith.addf %get3A_493, %add3A_495 : vector<16xf32>
    %get3A_497 = arith.constant 1 : i32
    %get3A_498 = arith.index_cast %get3A_497 : i32 to index
    %get3A_499 = arith.constant 0 : index
    %get3A_500 = tpu.vector_load %arg6[%get3A_498, %get3A_499] {strides = array<i32>} : memref<40x16xf32, #tpu.memory_space<vmem>>, vector<16xf32>,
    %div3A = arith.divf %get3A_500, %add3A_496 : vector<16xf32>
    tpu.vector_store_idx %arg8[%add3A_13], %div3A : memref<384xf32, #tpu.memory_space<vmem>>[vector<16xi32>], vector<16xf32>,
    %get3A_501 = arith.constant 2 : i32
    %get3A_502 = arith.index_cast %get3A_501 : i32 to index
    %get3A_503 = arith.constant 0 : index
    %get3A_504 = tpu.vector_load %arg6[%get3A_502, %get3A_503] {strides = array<i32>} : memref<40x16xf32, #tpu.memory_space<vmem>>, vector<16xf32>,
    %div3A_505 = arith.divf %get3A_504, %add3A_496 : vector<16xf32>
    tpu.vector_store_idx %arg8[%add3A_19], %div3A_505 : memref<384xf32, #tpu.memory_space<vmem>>[vector<16xi32>], vector<16xf32>,
    %get3A_506 = arith.constant 3 : i32
    %get3A_507 = arith.index_cast %get3A_506 : i32 to index
    %get3A_508 = arith.constant 0 : index
    %get3A_509 = tpu.vector_load %arg6[%get3A_507, %get3A_508] {strides = array<i32>} : memref<40x16xf32, #tpu.memory_space<vmem>>, vector<16xf32>,
    %div3A_510 = arith.divf %get3A_509, %add3A_496 : vector<16xf32>
    tpu.vector_store_idx %arg8[%add3A_25], %div3A_510 : memref<384xf32, #tpu.memory_space<vmem>>[vector<16xi32>], vector<16xf32>,
    %get3A_511 = arith.constant 4 : i32
    %get3A_512 = arith.index_cast %get3A_511 : i32 to index
    %get3A_513 = arith.constant 0 : index
    %get3A_514 = tpu.vector_load %arg6[%get3A_512, %get3A_513] {strides = array<i32>} : memref<40x16xf32, #tpu.memory_space<vmem>>, vector<16xf32>,
    %add3A_515 = arith.constant 9.99999974E-5 : f32
    %add3A_516 = vector.broadcast %add3A_515 : f32 to vector<16xf32>
    %add3A_517 = arith.addf %get3A_514, %add3A_516 : vector<16xf32>
    %get3A_518 = arith.constant 5 : i32
    %get3A_519 = arith.index_cast %get3A_518 : i32 to index
    %get3A_520 = arith.constant 0 : index
    %get3A_521 = tpu.vector_load %arg6[%get3A_519, %get3A_520] {strides = array<i32>} : memref<40x16xf32, #tpu.memory_space<vmem>>, vector<16xf32>,
    %div3A_522 = arith.divf %get3A_521, %add3A_517 : vector<16xf32>
    tpu.vector_store_idx %arg8[%add3A_31], %div3A_522 : memref<384xf32, #tpu.memory_space<vmem>>[vector<16xi32>], vector<16xf32>,
    %get3A_523 = arith.constant 6 : i32
    %get3A_524 = arith.index_cast %get3A_523 : i32 to index
    %get3A_525 = arith.constant 0 : index
    %get3A_526 = tpu.vector_load %arg6[%get3A_524, %get3A_525] {strides = array<i32>} : memref<40x16xf32, #tpu.memory_space<vmem>>, vector<16xf32>,
    %div3A_527 = arith.divf %get3A_526, %add3A_517 : vector<16xf32>
    tpu.vector_store_idx %arg8[%add3A_37], %div3A_527 : memref<384xf32, #tpu.memory_space<vmem>>[vector<16xi32>], vector<16xf32>,
    %get3A_528 = arith.constant 7 : i32
    %get3A_529 = arith.index_cast %get3A_528 : i32 to index
    %get3A_530 = arith.constant 0 : index
    %get3A_531 = tpu.vector_load %arg6[%get3A_529, %get3A_530] {strides = array<i32>} : memref<40x16xf32, #tpu.memory_space<vmem>>, vector<16xf32>,
    %div3A_532 = arith.divf %get3A_531, %add3A_517 : vector<16xf32>
    tpu.vector_store_idx %arg8[%add3A_43], %div3A_532 : memref<384xf32, #tpu.memory_space<vmem>>[vector<16xi32>], vector<16xf32>,
    %get3A_533 = arith.constant 8 : i32
    %get3A_534 = arith.index_cast %get3A_533 : i32 to index
    %get3A_535 = arith.constant 0 : index
    %get3A_536 = tpu.vector_load %arg6[%get3A_534, %get3A_535] {strides = array<i32>} : memref<40x16xf32, #tpu.memory_space<vmem>>, vector<16xf32>,
    %add3A_537 = arith.constant 9.99999974E-5 : f32
    %add3A_538 = vector.broadcast %add3A_537 : f32 to vector<16xf32>
    %add3A_539 = arith.addf %get3A_536, %add3A_538 : vector<16xf32>
    %get3A_540 = arith.constant 9 : i32
    %get3A_541 = arith.index_cast %get3A_540 : i32 to index
    %get3A_542 = arith.constant 0 : index
    %get3A_543 = tpu.vector_load %arg6[%get3A_541, %get3A_542] {strides = array<i32>} : memref<40x16xf32, #tpu.memory_space<vmem>>, vector<16xf32>,
    %div3A_544 = arith.divf %get3A_543, %add3A_539 : vector<16xf32>
    tpu.vector_store_idx %arg8[%add3A_49], %div3A_544 : memref<384xf32, #tpu.memory_space<vmem>>[vector<16xi32>], vector<16xf32>,
    %get3A_545 = arith.constant 10 : i32
    %get3A_546 = arith.index_cast %get3A_545 : i32 to index
    %get3A_547 = arith.constant 0 : index
    %get3A_548 = tpu.vector_load %arg6[%get3A_546, %get3A_547] {strides = array<i32>} : memref<40x16xf32, #tpu.memory_space<vmem>>, vector<16xf32>,
    %div3A_549 = arith.divf %get3A_548, %add3A_539 : vector<16xf32>
    tpu.vector_store_idx %arg8[%add3A_55], %div3A_549 : memref<384xf32, #tpu.memory_space<vmem>>[vector<16xi32>], vector<16xf32>,
    %get3A_550 = arith.constant 11 : i32
    %get3A_551 = arith.index_cast %get3A_550 : i32 to index
    %get3A_552 = arith.constant 0 : index
    %get3A_553 = tpu.vector_load %arg6[%get3A_551, %get3A_552] {strides = array<i32>} : memref<40x16xf32, #tpu.memory_space<vmem>>, vector<16xf32>,
    %div3A_554 = arith.divf %get3A_553, %add3A_539 : vector<16xf32>
    tpu.vector_store_idx %arg8[%add3A_61], %div3A_554 : memref<384xf32, #tpu.memory_space<vmem>>[vector<16xi32>], vector<16xf32>,
    %get3A_555 = arith.constant 12 : i32
    %get3A_556 = arith.index_cast %get3A_555 : i32 to index
    %get3A_557 = arith.constant 0 : index
    %get3A_558 = tpu.vector_load %arg6[%get3A_556, %get3A_557] {strides = array<i32>} : memref<40x16xf32, #tpu.memory_space<vmem>>, vector<16xf32>,
    %add3A_559 = arith.constant 9.99999974E-5 : f32
    %add3A_560 = vector.broadcast %add3A_559 : f32 to vector<16xf32>
    %add3A_561 = arith.addf %get3A_558, %add3A_560 : vector<16xf32>
    %get3A_562 = arith.constant 13 : i32
    %get3A_563 = arith.index_cast %get3A_562 : i32 to index
    %get3A_564 = arith.constant 0 : index
    %get3A_565 = tpu.vector_load %arg6[%get3A_563, %get3A_564] {strides = array<i32>} : memref<40x16xf32, #tpu.memory_space<vmem>>, vector<16xf32>,
    %div3A_566 = arith.divf %get3A_565, %add3A_561 : vector<16xf32>
    tpu.vector_store_idx %arg8[%add3A_67], %div3A_566 : memref<384xf32, #tpu.memory_space<vmem>>[vector<16xi32>], vector<16xf32>,
    %get3A_567 = arith.constant 14 : i32
    %get3A_568 = arith.index_cast %get3A_567 : i32 to index
    %get3A_569 = arith.constant 0 : index
    %get3A_570 = tpu.vector_load %arg6[%get3A_568, %get3A_569] {strides = array<i32>} : memref<40x16xf32, #tpu.memory_space<vmem>>, vector<16xf32>,
    %div3A_571 = arith.divf %get3A_570, %add3A_561 : vector<16xf32>
    tpu.vector_store_idx %arg8[%add3A_73], %div3A_571 : memref<384xf32, #tpu.memory_space<vmem>>[vector<16xi32>], vector<16xf32>,
    %get3A_572 = arith.constant 15 : i32
    %get3A_573 = arith.index_cast %get3A_572 : i32 to index
    %get3A_574 = arith.constant 0 : index
    %get3A_575 = tpu.vector_load %arg6[%get3A_573, %get3A_574] {strides = array<i32>} : memref<40x16xf32, #tpu.memory_space<vmem>>, vector<16xf32>,
    %div3A_576 = arith.divf %get3A_575, %add3A_561 : vector<16xf32>
    tpu.vector_store_idx %arg8[%add3A_79], %div3A_576 : memref<384xf32, #tpu.memory_space<vmem>>[vector<16xi32>], vector<16xf32>,
    %get3A_577 = arith.constant 16 : i32
    %get3A_578 = arith.index_cast %get3A_577 : i32 to index
    %get3A_579 = arith.constant 0 : index
    %get3A_580 = tpu.vector_load %arg6[%get3A_578, %get3A_579] {strides = array<i32>} : memref<40x16xf32, #tpu.memory_space<vmem>>, vector<16xf32>,
    %add3A_581 = arith.constant 9.99999974E-5 : f32
    %add3A_582 = vector.broadcast %add3A_581 : f32 to vector<16xf32>
    %add3A_583 = arith.addf %get3A_580, %add3A_582 : vector<16xf32>
    %get3A_584 = arith.constant 17 : i32
    %get3A_585 = arith.index_cast %get3A_584 : i32 to index
    %get3A_586 = arith.constant 0 : index
    %get3A_587 = tpu.vector_load %arg6[%get3A_585, %get3A_586] {strides = array<i32>} : memref<40x16xf32, #tpu.memory_space<vmem>>, vector<16xf32>,
    %div3A_588 = arith.divf %get3A_587, %add3A_583 : vector<16xf32>
    tpu.vector_store_idx %arg8[%add3A_85], %div3A_588 : memref<384xf32, #tpu.memory_space<vmem>>[vector<16xi32>], vector<16xf32>,
    %get3A_589 = arith.constant 18 : i32
    %get3A_590 = arith.index_cast %get3A_589 : i32 to index
    %get3A_591 = arith.constant 0 : index
    %get3A_592 = tpu.vector_load %arg6[%get3A_590, %get3A_591] {strides = array<i32>} : memref<40x16xf32, #tpu.memory_space<vmem>>, vector<16xf32>,
    %div3A_593 = arith.divf %get3A_592, %add3A_583 : vector<16xf32>
    tpu.vector_store_idx %arg8[%add3A_91], %div3A_593 : memref<384xf32, #tpu.memory_space<vmem>>[vector<16xi32>], vector<16xf32>,
    %get3A_594 = arith.constant 19 : i32
    %get3A_595 = arith.index_cast %get3A_594 : i32 to index
    %get3A_596 = arith.constant 0 : index
    %get3A_597 = tpu.vector_load %arg6[%get3A_595, %get3A_596] {strides = array<i32>} : memref<40x16xf32, #tpu.memory_space<vmem>>, vector<16xf32>,
    %div3A_598 = arith.divf %get3A_597, %add3A_583 : vector<16xf32>
    tpu.vector_store_idx %arg8[%add3A_97], %div3A_598 : memref<384xf32, #tpu.memory_space<vmem>>[vector<16xi32>], vector<16xf32>,
    %get3A_599 = arith.constant 20 : i32
    %get3A_600 = arith.index_cast %get3A_599 : i32 to index
    %get3A_601 = arith.constant 0 : index
    %get3A_602 = tpu.vector_load %arg6[%get3A_600, %get3A_601] {strides = array<i32>} : memref<40x16xf32, #tpu.memory_space<vmem>>, vector<16xf32>,
    %add3A_603 = arith.constant 9.99999974E-5 : f32
    %add3A_604 = vector.broadcast %add3A_603 : f32 to vector<16xf32>
    %add3A_605 = arith.addf %get3A_602, %add3A_604 : vector<16xf32>
    %get3A_606 = arith.constant 21 : i32
    %get3A_607 = arith.index_cast %get3A_606 : i32 to index
    %get3A_608 = arith.constant 0 : index
    %get3A_609 = tpu.vector_load %arg6[%get3A_607, %get3A_608] {strides = array<i32>} : memref<40x16xf32, #tpu.memory_space<vmem>>, vector<16xf32>,
    %div3A_610 = arith.divf %get3A_609, %add3A_605 : vector<16xf32>
    tpu.vector_store_idx %arg8[%add3A_103], %div3A_610 : memref<384xf32, #tpu.memory_space<vmem>>[vector<16xi32>], vector<16xf32>,
    %get3A_611 = arith.constant 22 : i32
    %get3A_612 = arith.index_cast %get3A_611 : i32 to index
    %get3A_613 = arith.constant 0 : index
    %get3A_614 = tpu.vector_load %arg6[%get3A_612, %get3A_613] {strides = array<i32>} : memref<40x16xf32, #tpu.memory_space<vmem>>, vector<16xf32>,
    %div3A_615 = arith.divf %get3A_614, %add3A_605 : vector<16xf32>
    tpu.vector_store_idx %arg8[%add3A_109], %div3A_615 : memref<384xf32, #tpu.memory_space<vmem>>[vector<16xi32>], vector<16xf32>,
    %get3A_616 = arith.constant 23 : i32
    %get3A_617 = arith.index_cast %get3A_616 : i32 to index
    %get3A_618 = arith.constant 0 : index
    %get3A_619 = tpu.vector_load %arg6[%get3A_617, %get3A_618] {strides = array<i32>} : memref<40x16xf32, #tpu.memory_space<vmem>>, vector<16xf32>,
    %div3A_620 = arith.divf %get3A_619, %add3A_605 : vector<16xf32>
    tpu.vector_store_idx %arg8[%add3A_115], %div3A_620 : memref<384xf32, #tpu.memory_space<vmem>>[vector<16xi32>], vector<16xf32>,
    %get3A_621 = arith.constant 24 : i32
    %get3A_622 = arith.index_cast %get3A_621 : i32 to index
    %get3A_623 = arith.constant 0 : index
    %get3A_624 = tpu.vector_load %arg6[%get3A_622, %get3A_623] {strides = array<i32>} : memref<40x16xf32, #tpu.memory_space<vmem>>, vector<16xf32>,
    %add3A_625 = arith.constant 9.99999974E-5 : f32
    %add3A_626 = vector.broadcast %add3A_625 : f32 to vector<16xf32>
    %add3A_627 = arith.addf %get3A_624, %add3A_626 : vector<16xf32>
    %get3A_628 = arith.constant 25 : i32
    %get3A_629 = arith.index_cast %get3A_628 : i32 to index
    %get3A_630 = arith.constant 0 : index
    %get3A_631 = tpu.vector_load %arg6[%get3A_629, %get3A_630] {strides = array<i32>} : memref<40x16xf32, #tpu.memory_space<vmem>>, vector<16xf32>,
    %div3A_632 = arith.divf %get3A_631, %add3A_627 : vector<16xf32>
    tpu.vector_store_idx %arg8[%add3A_121], %div3A_632 : memref<384xf32, #tpu.memory_space<vmem>>[vector<16xi32>], vector<16xf32>,
    %get3A_633 = arith.constant 26 : i32
    %get3A_634 = arith.index_cast %get3A_633 : i32 to index
    %get3A_635 = arith.constant 0 : index
    %get3A_636 = tpu.vector_load %arg6[%get3A_634, %get3A_635] {strides = array<i32>} : memref<40x16xf32, #tpu.memory_space<vmem>>, vector<16xf32>,
    %div3A_637 = arith.divf %get3A_636, %add3A_627 : vector<16xf32>
    tpu.vector_store_idx %arg8[%add3A_127], %div3A_637 : memref<384xf32, #tpu.memory_space<vmem>>[vector<16xi32>], vector<16xf32>,
    %get3A_638 = arith.constant 27 : i32
    %get3A_639 = arith.index_cast %get3A_638 : i32 to index
    %get3A_640 = arith.constant 0 : index
    %get3A_641 = tpu.vector_load %arg6[%get3A_639, %get3A_640] {strides = array<i32>} : memref<40x16xf32, #tpu.memory_space<vmem>>, vector<16xf32>,
    %div3A_642 = arith.divf %get3A_641, %add3A_627 : vector<16xf32>
    tpu.vector_store_idx %arg8[%add3A_133], %div3A_642 : memref<384xf32, #tpu.memory_space<vmem>>[vector<16xi32>], vector<16xf32>,
    %get3A_643 = arith.constant 28 : i32
    %get3A_644 = arith.index_cast %get3A_643 : i32 to index
    %get3A_645 = arith.constant 0 : index
    %get3A_646 = tpu.vector_load %arg6[%get3A_644, %get3A_645] {strides = array<i32>} : memref<40x16xf32, #tpu.memory_space<vmem>>, vector<16xf32>,
    %add3A_647 = arith.constant 9.99999974E-5 : f32
    %add3A_648 = vector.broadcast %add3A_647 : f32 to vector<16xf32>
    %add3A_649 = arith.addf %get3A_646, %add3A_648 : vector<16xf32>
    %get3A_650 = arith.constant 29 : i32
    %get3A_651 = arith.index_cast %get3A_650 : i32 to index
    %get3A_652 = arith.constant 0 : index
    %get3A_653 = tpu.vector_load %arg6[%get3A_651, %get3A_652] {strides = array<i32>} : memref<40x16xf32, #tpu.memory_space<vmem>>, vector<16xf32>,
    %div3A_654 = arith.divf %get3A_653, %add3A_649 : vector<16xf32>
    tpu.vector_store_idx %arg8[%add3A_139], %div3A_654 : memref<384xf32, #tpu.memory_space<vmem>>[vector<16xi32>], vector<16xf32>,
    %get3A_655 = arith.constant 30 : i32
    %get3A_656 = arith.index_cast %get3A_655 : i32 to index
    %get3A_657 = arith.constant 0 : index
    %get3A_658 = tpu.vector_load %arg6[%get3A_656, %get3A_657] {strides = array<i32>} : memref<40x16xf32, #tpu.memory_space<vmem>>, vector<16xf32>,
    %div3A_659 = arith.divf %get3A_658, %add3A_649 : vector<16xf32>
    tpu.vector_store_idx %arg8[%add3A_145], %div3A_659 : memref<384xf32, #tpu.memory_space<vmem>>[vector<16xi32>], vector<16xf32>,
    %get3A_660 = arith.constant 31 : i32
    %get3A_661 = arith.index_cast %get3A_660 : i32 to index
    %get3A_662 = arith.constant 0 : index
    %get3A_663 = tpu.vector_load %arg6[%get3A_661, %get3A_662] {strides = array<i32>} : memref<40x16xf32, #tpu.memory_space<vmem>>, vector<16xf32>,
    %div3A_664 = arith.divf %get3A_663, %add3A_649 : vector<16xf32>
    tpu.vector_store_idx %arg8[%add3A_151], %div3A_664 : memref<384xf32, #tpu.memory_space<vmem>>[vector<16xi32>], vector<16xf32>,
    %mul3A_665 = arith.constant 24 : i32
    %mul3A_666 = arith.muli %add3A_347, %mul3A_665 : i32
    "tpu.region"() ({
      %run_scoped3A = tpu.sem_alloc : memref<!tpu.dma_semaphore, #tpu.memory_space<semaphore_mem>>
      %dma_start3A_1069 = tpu.memref_slice %arg3[%mul3A_666] : memref<393216xf32, #tpu.memory_space<hbm>> -> memref<384xf32, #tpu.memory_space<hbm>>
      %dma_start3A_1070 = tpu.memref_slice %arg3[%mul3A_666] : memref<393216xf32, #tpu.memory_space<hbm>> -> memref<384xf32, #tpu.memory_space<hbm>>
      tpu.enqueue_dma source(%arg8 : memref<384xf32, #tpu.memory_space<vmem>>) target(%dma_start3A_1070 : memref<384xf32, #tpu.memory_space<hbm>>) target_semaphore(%run_scoped3A : memref<!tpu.dma_semaphore, #tpu.memory_space<semaphore_mem>>)
      %dma_wait3A_1071 = tpu.memref_slice %arg3[%mul3A_666] : memref<393216xf32, #tpu.memory_space<hbm>> -> memref<384xf32, #tpu.memory_space<hbm>>
      %dma_wait3A_1072 = tpu.memref_slice %arg3[%mul3A_666] : memref<393216xf32, #tpu.memory_space<hbm>> -> memref<384xf32, #tpu.memory_space<hbm>>
      tpu.wait_dma2 semaphore(%run_scoped3A : memref<!tpu.dma_semaphore, #tpu.memory_space<semaphore_mem>>) src(%arg8 : memref<384xf32, #tpu.memory_space<vmem>>) dst(%dma_wait3A_1072 : memref<384xf32, #tpu.memory_space<hbm>>)
      tpu.yield
    }) : () -> ()
    %mul3A_667 = arith.constant 128 : i32
    %mul3A_668 = arith.muli %add3A_347, %mul3A_667 : i32
    "tpu.region"() ({
      %run_scoped3A = tpu.sem_alloc : memref<!tpu.dma_semaphore, #tpu.memory_space<semaphore_mem>>
      %dma_start3A_1069 = tpu.memref_slice %arg4[%mul3A_668] : memref<2097152xf32, #tpu.memory_space<hbm>> -> memref<2048xf32, #tpu.memory_space<hbm>>
      %dma_start3A_1070 = tpu.memref_slice %arg4[%mul3A_668] : memref<2097152xf32, #tpu.memory_space<hbm>> -> memref<2048xf32, #tpu.memory_space<hbm>>
      tpu.enqueue_dma source(%arg7 : memref<2048xf32, #tpu.memory_space<vmem>>) target(%dma_start3A_1070 : memref<2048xf32, #tpu.memory_space<hbm>>) target_semaphore(%run_scoped3A : memref<!tpu.dma_semaphore, #tpu.memory_space<semaphore_mem>>)
      %dma_wait3A_1071 = tpu.memref_slice %arg4[%mul3A_668] : memref<2097152xf32, #tpu.memory_space<hbm>> -> memref<2048xf32, #tpu.memory_space<hbm>>
      %dma_wait3A_1072 = tpu.memref_slice %arg4[%mul3A_668] : memref<2097152xf32, #tpu.memory_space<hbm>> -> memref<2048xf32, #tpu.memory_space<hbm>>
      tpu.wait_dma2 semaphore(%run_scoped3A : memref<!tpu.dma_semaphore, #tpu.memory_space<semaphore_mem>>) src(%arg7 : memref<2048xf32, #tpu.memory_space<vmem>>) dst(%dma_wait3A_1072 : memref<2048xf32, #tpu.memory_space<hbm>>)
      tpu.yield
    }) : () -> ()
    %add3A_669 = arith.constant 1 : i32
    %add3A_670 = arith.addi %mul3A_215, %add3A_669 : i32
    %mul3A_671 = arith.constant 16 : i32
    %mul3A_672 = arith.muli %add3A_670, %mul3A_671 : i32
    %add3A_673 = arith.addi %mul3A_2, %mul3A_672 : i32
    %mul3A_674 = arith.constant 2048 : i32
    %mul3A_675 = arith.muli %add3A_673, %mul3A_674 : i32
    %add3A_676 = arith.constant 0 : i32
    %add3A_677 = arith.addi %mul3A_675, %add3A_676 : i32
    %dma_wait3A_678 = arith.constant 1 : i32
    %dma_wait3A_679 = arith.constant 0 : i32
    %dma_wait3A_680 = tpu.memref_slice %arg5[%dma_wait3A_678, %dma_wait3A_679] : memref<2x32768xf32, #tpu.memory_space<vmem>> -> memref<1x8192xf32, #tpu.memory_space<vmem>>
    %dma_wait3A_681 = tpu.memref_squeeze %dma_wait3A_680 : memref<1x8192xf32, #tpu.memory_space<vmem>> -> memref<8192xf32, #tpu.memory_space<vmem>>
    %dma_wait3A_682 = tpu.memref_slice %arg2[%add3A_677] : memref<33554432xf32, #tpu.memory_space<hbm>> -> memref<8192xf32, #tpu.memory_space<hbm>>
    %dma_wait3A_683 = arith.constant 0 : i32
    %dma_wait3A_684 = tpu.memref_slice %arg5[%dma_wait3A_678, %dma_wait3A_683] : memref<2x32768xf32, #tpu.memory_space<vmem>> -> memref<1x8192xf32, #tpu.memory_space<vmem>>
    %dma_wait3A_685 = tpu.memref_squeeze %dma_wait3A_684 : memref<1x8192xf32, #tpu.memory_space<vmem>> -> memref<8192xf32, #tpu.memory_space<vmem>>
    %dma_wait3A_686 = tpu.memref_slice %arg2[%add3A_677] : memref<33554432xf32, #tpu.memory_space<hbm>> -> memref<8192xf32, #tpu.memory_space<hbm>>
    tpu.wait_dma2 semaphore(%arg13 : memref<!tpu.dma_semaphore, #tpu.memory_space<semaphore_mem>>) src(%dma_wait3A_686 : memref<8192xf32, #tpu.memory_space<hbm>>) dst(%dma_wait3A_685 : memref<8192xf32, #tpu.memory_space<vmem>>)
    %mul3A_687 = arith.constant 16 : i32
    %mul3A_688 = arith.muli %add3A_670, %mul3A_687 : i32
    %add3A_689 = arith.addi %mul3A_2, %mul3A_688 : i32
    %mul3A_690 = arith.constant 2048 : i32
    %mul3A_691 = arith.muli %add3A_689, %mul3A_690 : i32
    %add3A_692 = arith.constant 8192 : i32
    %add3A_693 = arith.addi %mul3A_691, %add3A_692 : i32
    %dma_wait3A_694 = arith.constant 1 : i32
    %dma_wait3A_695 = arith.constant 8192 : i32
    %dma_wait3A_696 = tpu.memref_slice %arg5[%dma_wait3A_694, %dma_wait3A_695] : memref<2x32768xf32, #tpu.memory_space<vmem>> -> memref<1x8192xf32, #tpu.memory_space<vmem>>
    %dma_wait3A_697 = tpu.memref_squeeze %dma_wait3A_696 : memref<1x8192xf32, #tpu.memory_space<vmem>> -> memref<8192xf32, #tpu.memory_space<vmem>>
    %dma_wait3A_698 = tpu.memref_slice %arg2[%add3A_693] : memref<33554432xf32, #tpu.memory_space<hbm>> -> memref<8192xf32, #tpu.memory_space<hbm>>
    %dma_wait3A_699 = arith.constant 8192 : i32
    %dma_wait3A_700 = tpu.memref_slice %arg5[%dma_wait3A_694, %dma_wait3A_699] : memref<2x32768xf32, #tpu.memory_space<vmem>> -> memref<1x8192xf32, #tpu.memory_space<vmem>>
    %dma_wait3A_701 = tpu.memref_squeeze %dma_wait3A_700 : memref<1x8192xf32, #tpu.memory_space<vmem>> -> memref<8192xf32, #tpu.memory_space<vmem>>
    %dma_wait3A_702 = tpu.memref_slice %arg2[%add3A_693] : memref<33554432xf32, #tpu.memory_space<hbm>> -> memref<8192xf32, #tpu.memory_space<hbm>>
    tpu.wait_dma2 semaphore(%arg14 : memref<!tpu.dma_semaphore, #tpu.memory_space<semaphore_mem>>) src(%dma_wait3A_702 : memref<8192xf32, #tpu.memory_space<hbm>>) dst(%dma_wait3A_701 : memref<8192xf32, #tpu.memory_space<vmem>>)
    %mul3A_703 = arith.constant 16 : i32
    %mul3A_704 = arith.muli %add3A_670, %mul3A_703 : i32
    %add3A_705 = arith.addi %mul3A_2, %mul3A_704 : i32
    %mul3A_706 = arith.constant 2048 : i32
    %mul3A_707 = arith.muli %add3A_705, %mul3A_706 : i32
    %add3A_708 = arith.constant 16384 : i32
    %add3A_709 = arith.addi %mul3A_707, %add3A_708 : i32
    %dma_wait3A_710 = arith.constant 1 : i32
    %dma_wait3A_711 = arith.constant 16384 : i32
    %dma_wait3A_712 = tpu.memref_slice %arg5[%dma_wait3A_710, %dma_wait3A_711] : memref<2x32768xf32, #tpu.memory_space<vmem>> -> memref<1x8192xf32, #tpu.memory_space<vmem>>
    %dma_wait3A_713 = tpu.memref_squeeze %dma_wait3A_712 : memref<1x8192xf32, #tpu.memory_space<vmem>> -> memref<8192xf32, #tpu.memory_space<vmem>>
    %dma_wait3A_714 = tpu.memref_slice %arg2[%add3A_709] : memref<33554432xf32, #tpu.memory_space<hbm>> -> memref<8192xf32, #tpu.memory_space<hbm>>
    %dma_wait3A_715 = arith.constant 16384 : i32
    %dma_wait3A_716 = tpu.memref_slice %arg5[%dma_wait3A_710, %dma_wait3A_715] : memref<2x32768xf32, #tpu.memory_space<vmem>> -> memref<1x8192xf32, #tpu.memory_space<vmem>>
    %dma_wait3A_717 = tpu.memref_squeeze %dma_wait3A_716 : memref<1x8192xf32, #tpu.memory_space<vmem>> -> memref<8192xf32, #tpu.memory_space<vmem>>
    %dma_wait3A_718 = tpu.memref_slice %arg2[%add3A_709] : memref<33554432xf32, #tpu.memory_space<hbm>> -> memref<8192xf32, #tpu.memory_space<hbm>>
    tpu.wait_dma2 semaphore(%arg15 : memref<!tpu.dma_semaphore, #tpu.memory_space<semaphore_mem>>) src(%dma_wait3A_718 : memref<8192xf32, #tpu.memory_space<hbm>>) dst(%dma_wait3A_717 : memref<8192xf32, #tpu.memory_space<vmem>>)
    %mul3A_719 = arith.constant 16 : i32
    %mul3A_720 = arith.muli %add3A_670, %mul3A_719 : i32
    %add3A_721 = arith.addi %mul3A_2, %mul3A_720 : i32
    %mul3A_722 = arith.constant 2048 : i32
    %mul3A_723 = arith.muli %add3A_721, %mul3A_722 : i32
    %add3A_724 = arith.constant 24576 : i32
    %add3A_725 = arith.addi %mul3A_723, %add3A_724 : i32
    %dma_wait3A_726 = arith.constant 1 : i32
    %dma_wait3A_727 = arith.constant 24576 : i32
    %dma_wait3A_728 = tpu.memref_slice %arg5[%dma_wait3A_726, %dma_wait3A_727] : memref<2x32768xf32, #tpu.memory_space<vmem>> -> memref<1x8192xf32, #tpu.memory_space<vmem>>
    %dma_wait3A_729 = tpu.memref_squeeze %dma_wait3A_728 : memref<1x8192xf32, #tpu.memory_space<vmem>> -> memref<8192xf32, #tpu.memory_space<vmem>>
    %dma_wait3A_730 = tpu.memref_slice %arg2[%add3A_725] : memref<33554432xf32, #tpu.memory_space<hbm>> -> memref<8192xf32, #tpu.memory_space<hbm>>
    %dma_wait3A_731 = arith.constant 24576 : i32
    %dma_wait3A_732 = tpu.memref_slice %arg5[%dma_wait3A_726, %dma_wait3A_731] : memref<2x32768xf32, #tpu.memory_space<vmem>> -> memref<1x8192xf32, #tpu.memory_space<vmem>>
    %dma_wait3A_733 = tpu.memref_squeeze %dma_wait3A_732 : memref<1x8192xf32, #tpu.memory_space<vmem>> -> memref<8192xf32, #tpu.memory_space<vmem>>
    %dma_wait3A_734 = tpu.memref_slice %arg2[%add3A_725] : memref<33554432xf32, #tpu.memory_space<hbm>> -> memref<8192xf32, #tpu.memory_space<hbm>>
    tpu.wait_dma2 semaphore(%arg16 : memref<!tpu.dma_semaphore, #tpu.memory_space<semaphore_mem>>) src(%dma_wait3A_734 : memref<8192xf32, #tpu.memory_space<hbm>>) dst(%dma_wait3A_733 : memref<8192xf32, #tpu.memory_space<vmem>>)
    %add3A_735 = arith.constant 2 : i32
    %add3A_736 = arith.addi %mul3A_215, %add3A_735 : i32
    %lt3A = arith.constant 2 : i32
    %lt3A_737 = arith.cmpi slt, %add3A_736, %lt3A : i32
    %convert_element_type3A = arith.extui %lt3A_737 : i1 to i32
    %cond3A = arith.constant 0 : i32
    %cond3A_738 = arith.cmpi ne, %convert_element_type3A, %cond3A : i32
    scf.if %cond3A_738 {
      %add3A_1069 = arith.constant 2 : i32
      %add3A_1070 = arith.addi %mul3A_215, %add3A_1069 : i32
      %mul3A_1071 = arith.constant 16 : i32
      %mul3A_1072 = arith.muli %add3A_1070, %mul3A_1071 : i32
      %add3A_1073 = arith.addi %mul3A_2, %mul3A_1072 : i32
      %mul3A_1074 = arith.constant 2048 : i32
      %mul3A_1075 = arith.muli %add3A_1073, %mul3A_1074 : i32
      %add3A_1076 = arith.constant 0 : i32
      %add3A_1077 = arith.addi %mul3A_1075, %add3A_1076 : i32
      %dma_start3A_1078 = arith.constant 0 : i32
      %dma_start3A_1079 = arith.constant 0 : i32
      %dma_start3A_1080 = tpu.memref_slice %arg5[%dma_start3A_1078, %dma_start3A_1079] : memref<2x32768xf32, #tpu.memory_space<vmem>> -> memref<1x8192xf32, #tpu.memory_space<vmem>>
      %dma_start3A_1081 = tpu.memref_squeeze %dma_start3A_1080 : memref<1x8192xf32, #tpu.memory_space<vmem>> -> memref<8192xf32, #tpu.memory_space<vmem>>
      %dma_start3A_1082 = tpu.memref_slice %arg2[%add3A_1077] : memref<33554432xf32, #tpu.memory_space<hbm>> -> memref<8192xf32, #tpu.memory_space<hbm>>
      %dma_start3A_1083 = arith.constant 0 : i32
      %dma_start3A_1084 = tpu.memref_slice %arg5[%dma_start3A_1078, %dma_start3A_1083] : memref<2x32768xf32, #tpu.memory_space<vmem>> -> memref<1x8192xf32, #tpu.memory_space<vmem>>
      %dma_start3A_1085 = tpu.memref_squeeze %dma_start3A_1084 : memref<1x8192xf32, #tpu.memory_space<vmem>> -> memref<8192xf32, #tpu.memory_space<vmem>>
      %dma_start3A_1086 = tpu.memref_slice %arg2[%add3A_1077] : memref<33554432xf32, #tpu.memory_space<hbm>> -> memref<8192xf32, #tpu.memory_space<hbm>>
      tpu.enqueue_dma source(%dma_start3A_1086 : memref<8192xf32, #tpu.memory_space<hbm>>) target(%dma_start3A_1085 : memref<8192xf32, #tpu.memory_space<vmem>>) target_semaphore(%arg9 : memref<!tpu.dma_semaphore, #tpu.memory_space<semaphore_mem>>)
      %mul3A_1087 = arith.constant 16 : i32
      %mul3A_1088 = arith.muli %add3A_1070, %mul3A_1087 : i32
      %add3A_1089 = arith.addi %mul3A_2, %mul3A_1088 : i32
      %mul3A_1090 = arith.constant 2048 : i32
      %mul3A_1091 = arith.muli %add3A_1089, %mul3A_1090 : i32
      %add3A_1092 = arith.constant 8192 : i32
      %add3A_1093 = arith.addi %mul3A_1091, %add3A_1092 : i32
      %dma_start3A_1094 = arith.constant 0 : i32
      %dma_start3A_1095 = arith.constant 8192 : i32
      %dma_start3A_1096 = tpu.memref_slice %arg5[%dma_start3A_1094, %dma_start3A_1095] : memref<2x32768xf32, #tpu.memory_space<vmem>> -> memref<1x8192xf32, #tpu.memory_space<vmem>>
      %dma_start3A_1097 = tpu.memref_squeeze %dma_start3A_1096 : memref<1x8192xf32, #tpu.memory_space<vmem>> -> memref<8192xf32, #tpu.memory_space<vmem>>
      %dma_start3A_1098 = tpu.memref_slice %arg2[%add3A_1093] : memref<33554432xf32, #tpu.memory_space<hbm>> -> memref<8192xf32, #tpu.memory_space<hbm>>
      %dma_start3A_1099 = arith.constant 8192 : i32
      %dma_start3A_1100 = tpu.memref_slice %arg5[%dma_start3A_1094, %dma_start3A_1099] : memref<2x32768xf32, #tpu.memory_space<vmem>> -> memref<1x8192xf32, #tpu.memory_space<vmem>>
      %dma_start3A_1101 = tpu.memref_squeeze %dma_start3A_1100 : memref<1x8192xf32, #tpu.memory_space<vmem>> -> memref<8192xf32, #tpu.memory_space<vmem>>
      %dma_start3A_1102 = tpu.memref_slice %arg2[%add3A_1093] : memref<33554432xf32, #tpu.memory_space<hbm>> -> memref<8192xf32, #tpu.memory_space<hbm>>
      tpu.enqueue_dma source(%dma_start3A_1102 : memref<8192xf32, #tpu.memory_space<hbm>>) target(%dma_start3A_1101 : memref<8192xf32, #tpu.memory_space<vmem>>) target_semaphore(%arg10 : memref<!tpu.dma_semaphore, #tpu.memory_space<semaphore_mem>>)
      %mul3A_1103 = arith.constant 16 : i32
      %mul3A_1104 = arith.muli %add3A_1070, %mul3A_1103 : i32
      %add3A_1105 = arith.addi %mul3A_2, %mul3A_1104 : i32
      %mul3A_1106 = arith.constant 2048 : i32
      %mul3A_1107 = arith.muli %add3A_1105, %mul3A_1106 : i32
      %add3A_1108 = arith.constant 16384 : i32
      %add3A_1109 = arith.addi %mul3A_1107, %add3A_1108 : i32
      %dma_start3A_1110 = arith.constant 0 : i32
      %dma_start3A_1111 = arith.constant 16384 : i32
      %dma_start3A_1112 = tpu.memref_slice %arg5[%dma_start3A_1110, %dma_start3A_1111] : memref<2x32768xf32, #tpu.memory_space<vmem>> -> memref<1x8192xf32, #tpu.memory_space<vmem>>
      %dma_start3A_1113 = tpu.memref_squeeze %dma_start3A_1112 : memref<1x8192xf32, #tpu.memory_space<vmem>> -> memref<8192xf32, #tpu.memory_space<vmem>>
      %dma_start3A_1114 = tpu.memref_slice %arg2[%add3A_1109] : memref<33554432xf32, #tpu.memory_space<hbm>> -> memref<8192xf32, #tpu.memory_space<hbm>>
      %dma_start3A_1115 = arith.constant 16384 : i32
      %dma_start3A_1116 = tpu.memref_slice %arg5[%dma_start3A_1110, %dma_start3A_1115] : memref<2x32768xf32, #tpu.memory_space<vmem>> -> memref<1x8192xf32, #tpu.memory_space<vmem>>
      %dma_start3A_1117 = tpu.memref_squeeze %dma_start3A_1116 : memref<1x8192xf32, #tpu.memory_space<vmem>> -> memref<8192xf32, #tpu.memory_space<vmem>>
      %dma_start3A_1118 = tpu.memref_slice %arg2[%add3A_1109] : memref<33554432xf32, #tpu.memory_space<hbm>> -> memref<8192xf32, #tpu.memory_space<hbm>>
      tpu.enqueue_dma source(%dma_start3A_1118 : memref<8192xf32, #tpu.memory_space<hbm>>) target(%dma_start3A_1117 : memref<8192xf32, #tpu.memory_space<vmem>>) target_semaphore(%arg11 : memref<!tpu.dma_semaphore, #tpu.memory_space<semaphore_mem>>)
      %mul3A_1119 = arith.constant 16 : i32
      %mul3A_1120 = arith.muli %add3A_1070, %mul3A_1119 : i32
      %add3A_1121 = arith.addi %mul3A_2, %mul3A_1120 : i32
      %mul3A_1122 = arith.constant 2048 : i32
      %mul3A_1123 = arith.muli %add3A_1121, %mul3A_1122 : i32
      %add3A_1124 = arith.constant 24576 : i32
      %add3A_1125 = arith.addi %mul3A_1123, %add3A_1124 : i32
      %dma_start3A_1126 = arith.constant 0 : i32
      %dma_start3A_1127 = arith.constant 24576 : i32
      %dma_start3A_1128 = tpu.memref_slice %arg5[%dma_start3A_1126, %dma_start3A_1127] : memref<2x32768xf32, #tpu.memory_space<vmem>> -> memref<1x8192xf32, #tpu.memory_space<vmem>>
      %dma_start3A_1129 = tpu.memref_squeeze %dma_start3A_1128 : memref<1x8192xf32, #tpu.memory_space<vmem>> -> memref<8192xf32, #tpu.memory_space<vmem>>
      %dma_start3A_1130 = tpu.memref_slice %arg2[%add3A_1125] : memref<33554432xf32, #tpu.memory_space<hbm>> -> memref<8192xf32, #tpu.memory_space<hbm>>
      %dma_start3A_1131 = arith.constant 24576 : i32
      %dma_start3A_1132 = tpu.memref_slice %arg5[%dma_start3A_1126, %dma_start3A_1131] : memref<2x32768xf32, #tpu.memory_space<vmem>> -> memref<1x8192xf32, #tpu.memory_space<vmem>>
      %dma_start3A_1133 = tpu.memref_squeeze %dma_start3A_1132 : memref<1x8192xf32, #tpu.memory_space<vmem>> -> memref<8192xf32, #tpu.memory_space<vmem>>
      %dma_start3A_1134 = tpu.memref_slice %arg2[%add3A_1125] : memref<33554432xf32, #tpu.memory_space<hbm>> -> memref<8192xf32, #tpu.memory_space<hbm>>
      tpu.enqueue_dma source(%dma_start3A_1134 : memref<8192xf32, #tpu.memory_space<hbm>>) target(%dma_start3A_1133 : memref<8192xf32, #tpu.memory_space<vmem>>) target_semaphore(%arg12 : memref<!tpu.dma_semaphore, #tpu.memory_space<semaphore_mem>>)
    } else {
    }
    %add3A_739 = arith.constant 1 : i32
    %add3A_740 = arith.addi %mul3A_215, %add3A_739 : i32
    %mul3A_741 = arith.constant 16 : i32
    %mul3A_742 = arith.muli %add3A_740, %mul3A_741 : i32
    %add3A_743 = arith.addi %mul3A_2, %mul3A_742 : i32
    %swap3A_744 = arith.constant 0 : i32
    %swap3A_745 = arith.index_cast %swap3A_744 : i32 to index
    %swap3A_746 = arith.constant 0 : index
    %swap3A_747 = tpu.vector_load %arg6[%swap3A_745, %swap3A_746] {strides = array<i32>} : memref<40x16xf32, #tpu.memory_space<vmem>>, vector<16xf32>,
    tpu.vector_store %arg6[%swap3A_745, %swap3A_746], %broadcast_in_dim3A_5 {strides = array<i32>} : memref<40x16xf32, #tpu.memory_space<vmem>>, vector<16xf32>,
    %swap3A_748 = arith.constant 1 : i32
    %swap3A_749 = arith.index_cast %swap3A_748 : i32 to index
    %swap3A_750 = arith.constant 0 : index
    %swap3A_751 = tpu.vector_load %arg6[%swap3A_749, %swap3A_750] {strides = array<i32>} : memref<40x16xf32, #tpu.memory_space<vmem>>, vector<16xf32>,
    tpu.vector_store %arg6[%swap3A_749, %swap3A_750], %broadcast_in_dim3A_5 {strides = array<i32>} : memref<40x16xf32, #tpu.memory_space<vmem>>, vector<16xf32>,
    %swap3A_752 = arith.constant 2 : i32
    %swap3A_753 = arith.index_cast %swap3A_752 : i32 to index
    %swap3A_754 = arith.constant 0 : index
    %swap3A_755 = tpu.vector_load %arg6[%swap3A_753, %swap3A_754] {strides = array<i32>} : memref<40x16xf32, #tpu.memory_space<vmem>>, vector<16xf32>,
    tpu.vector_store %arg6[%swap3A_753, %swap3A_754], %broadcast_in_dim3A_5 {strides = array<i32>} : memref<40x16xf32, #tpu.memory_space<vmem>>, vector<16xf32>,
    %swap3A_756 = arith.constant 3 : i32
    %swap3A_757 = arith.index_cast %swap3A_756 : i32 to index
    %swap3A_758 = arith.constant 0 : index
    %swap3A_759 = tpu.vector_load %arg6[%swap3A_757, %swap3A_758] {strides = array<i32>} : memref<40x16xf32, #tpu.memory_space<vmem>>, vector<16xf32>,
    tpu.vector_store %arg6[%swap3A_757, %swap3A_758], %broadcast_in_dim3A_5 {strides = array<i32>} : memref<40x16xf32, #tpu.memory_space<vmem>>, vector<16xf32>,
    %swap3A_760 = arith.constant 4 : i32
    %swap3A_761 = arith.index_cast %swap3A_760 : i32 to index
    %swap3A_762 = arith.constant 0 : index
    %swap3A_763 = tpu.vector_load %arg6[%swap3A_761, %swap3A_762] {strides = array<i32>} : memref<40x16xf32, #tpu.memory_space<vmem>>, vector<16xf32>,
    tpu.vector_store %arg6[%swap3A_761, %swap3A_762], %broadcast_in_dim3A_5 {strides = array<i32>} : memref<40x16xf32, #tpu.memory_space<vmem>>, vector<16xf32>,
    %swap3A_764 = arith.constant 5 : i32
    %swap3A_765 = arith.index_cast %swap3A_764 : i32 to index
    %swap3A_766 = arith.constant 0 : index
    %swap3A_767 = tpu.vector_load %arg6[%swap3A_765, %swap3A_766] {strides = array<i32>} : memref<40x16xf32, #tpu.memory_space<vmem>>, vector<16xf32>,
    tpu.vector_store %arg6[%swap3A_765, %swap3A_766], %broadcast_in_dim3A_5 {strides = array<i32>} : memref<40x16xf32, #tpu.memory_space<vmem>>, vector<16xf32>,
    %swap3A_768 = arith.constant 6 : i32
    %swap3A_769 = arith.index_cast %swap3A_768 : i32 to index
    %swap3A_770 = arith.constant 0 : index
    %swap3A_771 = tpu.vector_load %arg6[%swap3A_769, %swap3A_770] {strides = array<i32>} : memref<40x16xf32, #tpu.memory_space<vmem>>, vector<16xf32>,
    tpu.vector_store %arg6[%swap3A_769, %swap3A_770], %broadcast_in_dim3A_5 {strides = array<i32>} : memref<40x16xf32, #tpu.memory_space<vmem>>, vector<16xf32>,
    %swap3A_772 = arith.constant 7 : i32
    %swap3A_773 = arith.index_cast %swap3A_772 : i32 to index
    %swap3A_774 = arith.constant 0 : index
    %swap3A_775 = tpu.vector_load %arg6[%swap3A_773, %swap3A_774] {strides = array<i32>} : memref<40x16xf32, #tpu.memory_space<vmem>>, vector<16xf32>,
    tpu.vector_store %arg6[%swap3A_773, %swap3A_774], %broadcast_in_dim3A_5 {strides = array<i32>} : memref<40x16xf32, #tpu.memory_space<vmem>>, vector<16xf32>,
    %swap3A_776 = arith.constant 8 : i32
    %swap3A_777 = arith.index_cast %swap3A_776 : i32 to index
    %swap3A_778 = arith.constant 0 : index
    %swap3A_779 = tpu.vector_load %arg6[%swap3A_777, %swap3A_778] {strides = array<i32>} : memref<40x16xf32, #tpu.memory_space<vmem>>, vector<16xf32>,
    tpu.vector_store %arg6[%swap3A_777, %swap3A_778], %broadcast_in_dim3A_5 {strides = array<i32>} : memref<40x16xf32, #tpu.memory_space<vmem>>, vector<16xf32>,
    %swap3A_780 = arith.constant 9 : i32
    %swap3A_781 = arith.index_cast %swap3A_780 : i32 to index
    %swap3A_782 = arith.constant 0 : index
    %swap3A_783 = tpu.vector_load %arg6[%swap3A_781, %swap3A_782] {strides = array<i32>} : memref<40x16xf32, #tpu.memory_space<vmem>>, vector<16xf32>,
    tpu.vector_store %arg6[%swap3A_781, %swap3A_782], %broadcast_in_dim3A_5 {strides = array<i32>} : memref<40x16xf32, #tpu.memory_space<vmem>>, vector<16xf32>,
    %swap3A_784 = arith.constant 10 : i32
    %swap3A_785 = arith.index_cast %swap3A_784 : i32 to index
    %swap3A_786 = arith.constant 0 : index
    %swap3A_787 = tpu.vector_load %arg6[%swap3A_785, %swap3A_786] {strides = array<i32>} : memref<40x16xf32, #tpu.memory_space<vmem>>, vector<16xf32>,
    tpu.vector_store %arg6[%swap3A_785, %swap3A_786], %broadcast_in_dim3A_5 {strides = array<i32>} : memref<40x16xf32, #tpu.memory_space<vmem>>, vector<16xf32>,
    %swap3A_788 = arith.constant 11 : i32
    %swap3A_789 = arith.index_cast %swap3A_788 : i32 to index
    %swap3A_790 = arith.constant 0 : index
    %swap3A_791 = tpu.vector_load %arg6[%swap3A_789, %swap3A_790] {strides = array<i32>} : memref<40x16xf32, #tpu.memory_space<vmem>>, vector<16xf32>,
    tpu.vector_store %arg6[%swap3A_789, %swap3A_790], %broadcast_in_dim3A_5 {strides = array<i32>} : memref<40x16xf32, #tpu.memory_space<vmem>>, vector<16xf32>,
    %swap3A_792 = arith.constant 12 : i32
    %swap3A_793 = arith.index_cast %swap3A_792 : i32 to index
    %swap3A_794 = arith.constant 0 : index
    %swap3A_795 = tpu.vector_load %arg6[%swap3A_793, %swap3A_794] {strides = array<i32>} : memref<40x16xf32, #tpu.memory_space<vmem>>, vector<16xf32>,
    tpu.vector_store %arg6[%swap3A_793, %swap3A_794], %broadcast_in_dim3A_5 {strides = array<i32>} : memref<40x16xf32, #tpu.memory_space<vmem>>, vector<16xf32>,
    %swap3A_796 = arith.constant 13 : i32
    %swap3A_797 = arith.index_cast %swap3A_796 : i32 to index
    %swap3A_798 = arith.constant 0 : index
    %swap3A_799 = tpu.vector_load %arg6[%swap3A_797, %swap3A_798] {strides = array<i32>} : memref<40x16xf32, #tpu.memory_space<vmem>>, vector<16xf32>,
    tpu.vector_store %arg6[%swap3A_797, %swap3A_798], %broadcast_in_dim3A_5 {strides = array<i32>} : memref<40x16xf32, #tpu.memory_space<vmem>>, vector<16xf32>,
    %swap3A_800 = arith.constant 14 : i32
    %swap3A_801 = arith.index_cast %swap3A_800 : i32 to index
    %swap3A_802 = arith.constant 0 : index
    %swap3A_803 = tpu.vector_load %arg6[%swap3A_801, %swap3A_802] {strides = array<i32>} : memref<40x16xf32, #tpu.memory_space<vmem>>, vector<16xf32>,
    tpu.vector_store %arg6[%swap3A_801, %swap3A_802], %broadcast_in_dim3A_5 {strides = array<i32>} : memref<40x16xf32, #tpu.memory_space<vmem>>, vector<16xf32>,
    %swap3A_804 = arith.constant 15 : i32
    %swap3A_805 = arith.index_cast %swap3A_804 : i32 to index
    %swap3A_806 = arith.constant 0 : index
    %swap3A_807 = tpu.vector_load %arg6[%swap3A_805, %swap3A_806] {strides = array<i32>} : memref<40x16xf32, #tpu.memory_space<vmem>>, vector<16xf32>,
    tpu.vector_store %arg6[%swap3A_805, %swap3A_806], %broadcast_in_dim3A_5 {strides = array<i32>} : memref<40x16xf32, #tpu.memory_space<vmem>>, vector<16xf32>,
    %swap3A_808 = arith.constant 16 : i32
    %swap3A_809 = arith.index_cast %swap3A_808 : i32 to index
    %swap3A_810 = arith.constant 0 : index
    %swap3A_811 = tpu.vector_load %arg6[%swap3A_809, %swap3A_810] {strides = array<i32>} : memref<40x16xf32, #tpu.memory_space<vmem>>, vector<16xf32>,
    tpu.vector_store %arg6[%swap3A_809, %swap3A_810], %broadcast_in_dim3A_5 {strides = array<i32>} : memref<40x16xf32, #tpu.memory_space<vmem>>, vector<16xf32>,
    %swap3A_812 = arith.constant 17 : i32
    %swap3A_813 = arith.index_cast %swap3A_812 : i32 to index
    %swap3A_814 = arith.constant 0 : index
    %swap3A_815 = tpu.vector_load %arg6[%swap3A_813, %swap3A_814] {strides = array<i32>} : memref<40x16xf32, #tpu.memory_space<vmem>>, vector<16xf32>,
    tpu.vector_store %arg6[%swap3A_813, %swap3A_814], %broadcast_in_dim3A_5 {strides = array<i32>} : memref<40x16xf32, #tpu.memory_space<vmem>>, vector<16xf32>,
    %swap3A_816 = arith.constant 18 : i32
    %swap3A_817 = arith.index_cast %swap3A_816 : i32 to index
    %swap3A_818 = arith.constant 0 : index
    %swap3A_819 = tpu.vector_load %arg6[%swap3A_817, %swap3A_818] {strides = array<i32>} : memref<40x16xf32, #tpu.memory_space<vmem>>, vector<16xf32>,
    tpu.vector_store %arg6[%swap3A_817, %swap3A_818], %broadcast_in_dim3A_5 {strides = array<i32>} : memref<40x16xf32, #tpu.memory_space<vmem>>, vector<16xf32>,
    %swap3A_820 = arith.constant 19 : i32
    %swap3A_821 = arith.index_cast %swap3A_820 : i32 to index
    %swap3A_822 = arith.constant 0 : index
    %swap3A_823 = tpu.vector_load %arg6[%swap3A_821, %swap3A_822] {strides = array<i32>} : memref<40x16xf32, #tpu.memory_space<vmem>>, vector<16xf32>,
    tpu.vector_store %arg6[%swap3A_821, %swap3A_822], %broadcast_in_dim3A_5 {strides = array<i32>} : memref<40x16xf32, #tpu.memory_space<vmem>>, vector<16xf32>,
    %swap3A_824 = arith.constant 20 : i32
    %swap3A_825 = arith.index_cast %swap3A_824 : i32 to index
    %swap3A_826 = arith.constant 0 : index
    %swap3A_827 = tpu.vector_load %arg6[%swap3A_825, %swap3A_826] {strides = array<i32>} : memref<40x16xf32, #tpu.memory_space<vmem>>, vector<16xf32>,
    tpu.vector_store %arg6[%swap3A_825, %swap3A_826], %broadcast_in_dim3A_5 {strides = array<i32>} : memref<40x16xf32, #tpu.memory_space<vmem>>, vector<16xf32>,
    %swap3A_828 = arith.constant 21 : i32
    %swap3A_829 = arith.index_cast %swap3A_828 : i32 to index
    %swap3A_830 = arith.constant 0 : index
    %swap3A_831 = tpu.vector_load %arg6[%swap3A_829, %swap3A_830] {strides = array<i32>} : memref<40x16xf32, #tpu.memory_space<vmem>>, vector<16xf32>,
    tpu.vector_store %arg6[%swap3A_829, %swap3A_830], %broadcast_in_dim3A_5 {strides = array<i32>} : memref<40x16xf32, #tpu.memory_space<vmem>>, vector<16xf32>,
    %swap3A_832 = arith.constant 22 : i32
    %swap3A_833 = arith.index_cast %swap3A_832 : i32 to index
    %swap3A_834 = arith.constant 0 : index
    %swap3A_835 = tpu.vector_load %arg6[%swap3A_833, %swap3A_834] {strides = array<i32>} : memref<40x16xf32, #tpu.memory_space<vmem>>, vector<16xf32>,
    tpu.vector_store %arg6[%swap3A_833, %swap3A_834], %broadcast_in_dim3A_5 {strides = array<i32>} : memref<40x16xf32, #tpu.memory_space<vmem>>, vector<16xf32>,
    %swap3A_836 = arith.constant 23 : i32
    %swap3A_837 = arith.index_cast %swap3A_836 : i32 to index
    %swap3A_838 = arith.constant 0 : index
    %swap3A_839 = tpu.vector_load %arg6[%swap3A_837, %swap3A_838] {strides = array<i32>} : memref<40x16xf32, #tpu.memory_space<vmem>>, vector<16xf32>,
    tpu.vector_store %arg6[%swap3A_837, %swap3A_838], %broadcast_in_dim3A_5 {strides = array<i32>} : memref<40x16xf32, #tpu.memory_space<vmem>>, vector<16xf32>,
    %swap3A_840 = arith.constant 24 : i32
    %swap3A_841 = arith.index_cast %swap3A_840 : i32 to index
    %swap3A_842 = arith.constant 0 : index
    %swap3A_843 = tpu.vector_load %arg6[%swap3A_841, %swap3A_842] {strides = array<i32>} : memref<40x16xf32, #tpu.memory_space<vmem>>, vector<16xf32>,
    tpu.vector_store %arg6[%swap3A_841, %swap3A_842], %broadcast_in_dim3A_5 {strides = array<i32>} : memref<40x16xf32, #tpu.memory_space<vmem>>, vector<16xf32>,
    %swap3A_844 = arith.constant 25 : i32
    %swap3A_845 = arith.index_cast %swap3A_844 : i32 to index
    %swap3A_846 = arith.constant 0 : index
    %swap3A_847 = tpu.vector_load %arg6[%swap3A_845, %swap3A_846] {strides = array<i32>} : memref<40x16xf32, #tpu.memory_space<vmem>>, vector<16xf32>,
    tpu.vector_store %arg6[%swap3A_845, %swap3A_846], %broadcast_in_dim3A_5 {strides = array<i32>} : memref<40x16xf32, #tpu.memory_space<vmem>>, vector<16xf32>,
    %swap3A_848 = arith.constant 26 : i32
    %swap3A_849 = arith.index_cast %swap3A_848 : i32 to index
    %swap3A_850 = arith.constant 0 : index
    %swap3A_851 = tpu.vector_load %arg6[%swap3A_849, %swap3A_850] {strides = array<i32>} : memref<40x16xf32, #tpu.memory_space<vmem>>, vector<16xf32>,
    tpu.vector_store %arg6[%swap3A_849, %swap3A_850], %broadcast_in_dim3A_5 {strides = array<i32>} : memref<40x16xf32, #tpu.memory_space<vmem>>, vector<16xf32>,
    %swap3A_852 = arith.constant 27 : i32
    %swap3A_853 = arith.index_cast %swap3A_852 : i32 to index
    %swap3A_854 = arith.constant 0 : index
    %swap3A_855 = tpu.vector_load %arg6[%swap3A_853, %swap3A_854] {strides = array<i32>} : memref<40x16xf32, #tpu.memory_space<vmem>>, vector<16xf32>,
    tpu.vector_store %arg6[%swap3A_853, %swap3A_854], %broadcast_in_dim3A_5 {strides = array<i32>} : memref<40x16xf32, #tpu.memory_space<vmem>>, vector<16xf32>,
    %swap3A_856 = arith.constant 28 : i32
    %swap3A_857 = arith.index_cast %swap3A_856 : i32 to index
    %swap3A_858 = arith.constant 0 : index
    %swap3A_859 = tpu.vector_load %arg6[%swap3A_857, %swap3A_858] {strides = array<i32>} : memref<40x16xf32, #tpu.memory_space<vmem>>, vector<16xf32>,
    tpu.vector_store %arg6[%swap3A_857, %swap3A_858], %broadcast_in_dim3A_5 {strides = array<i32>} : memref<40x16xf32, #tpu.memory_space<vmem>>, vector<16xf32>,
    %swap3A_860 = arith.constant 29 : i32
    %swap3A_861 = arith.index_cast %swap3A_860 : i32 to index
    %swap3A_862 = arith.constant 0 : index
    %swap3A_863 = tpu.vector_load %arg6[%swap3A_861, %swap3A_862] {strides = array<i32>} : memref<40x16xf32, #tpu.memory_space<vmem>>, vector<16xf32>,
    tpu.vector_store %arg6[%swap3A_861, %swap3A_862], %broadcast_in_dim3A_5 {strides = array<i32>} : memref<40x16xf32, #tpu.memory_space<vmem>>, vector<16xf32>,
    %swap3A_864 = arith.constant 30 : i32
    %swap3A_865 = arith.index_cast %swap3A_864 : i32 to index
    %swap3A_866 = arith.constant 0 : index
    %swap3A_867 = tpu.vector_load %arg6[%swap3A_865, %swap3A_866] {strides = array<i32>} : memref<40x16xf32, #tpu.memory_space<vmem>>, vector<16xf32>,
    tpu.vector_store %arg6[%swap3A_865, %swap3A_866], %broadcast_in_dim3A_5 {strides = array<i32>} : memref<40x16xf32, #tpu.memory_space<vmem>>, vector<16xf32>,
    %swap3A_868 = arith.constant 31 : i32
    %swap3A_869 = arith.index_cast %swap3A_868 : i32 to index
    %swap3A_870 = arith.constant 0 : index
    %swap3A_871 = tpu.vector_load %arg6[%swap3A_869, %swap3A_870] {strides = array<i32>} : memref<40x16xf32, #tpu.memory_space<vmem>>, vector<16xf32>,
    tpu.vector_store %arg6[%swap3A_869, %swap3A_870], %broadcast_in_dim3A_5 {strides = array<i32>} : memref<40x16xf32, #tpu.memory_space<vmem>>, vector<16xf32>,
    %swap3A_872 = arith.constant 32 : i32
    %swap3A_873 = arith.index_cast %swap3A_872 : i32 to index
    %swap3A_874 = arith.constant 0 : index
    %swap3A_875 = tpu.vector_load %arg6[%swap3A_873, %swap3A_874] {strides = array<i32>} : memref<40x16xf32, #tpu.memory_space<vmem>>, vector<16xf32>,
    tpu.vector_store %arg6[%swap3A_873, %swap3A_874], %broadcast_in_dim3A_5 {strides = array<i32>} : memref<40x16xf32, #tpu.memory_space<vmem>>, vector<16xf32>,
    %swap3A_876 = arith.constant 33 : i32
    %swap3A_877 = arith.index_cast %swap3A_876 : i32 to index
    %swap3A_878 = arith.constant 0 : index
    %swap3A_879 = tpu.vector_load %arg6[%swap3A_877, %swap3A_878] {strides = array<i32>} : memref<40x16xf32, #tpu.memory_space<vmem>>, vector<16xf32>,
    tpu.vector_store %arg6[%swap3A_877, %swap3A_878], %broadcast_in_dim3A_5 {strides = array<i32>} : memref<40x16xf32, #tpu.memory_space<vmem>>, vector<16xf32>,
    %swap3A_880 = arith.constant 34 : i32
    %swap3A_881 = arith.index_cast %swap3A_880 : i32 to index
    %swap3A_882 = arith.constant 0 : index
    %swap3A_883 = tpu.vector_load %arg6[%swap3A_881, %swap3A_882] {strides = array<i32>} : memref<40x16xf32, #tpu.memory_space<vmem>>, vector<16xf32>,
    tpu.vector_store %arg6[%swap3A_881, %swap3A_882], %broadcast_in_dim3A_5 {strides = array<i32>} : memref<40x16xf32, #tpu.memory_space<vmem>>, vector<16xf32>,
    %swap3A_884 = arith.constant 35 : i32
    %swap3A_885 = arith.index_cast %swap3A_884 : i32 to index
    %swap3A_886 = arith.constant 0 : index
    %swap3A_887 = tpu.vector_load %arg6[%swap3A_885, %swap3A_886] {strides = array<i32>} : memref<40x16xf32, #tpu.memory_space<vmem>>, vector<16xf32>,
    tpu.vector_store %arg6[%swap3A_885, %swap3A_886], %broadcast_in_dim3A_5 {strides = array<i32>} : memref<40x16xf32, #tpu.memory_space<vmem>>, vector<16xf32>,
    %get3A_888 = arith.constant 0 : i32
    %get3A_889 = arith.index_cast %get3A_888 : i32 to index
    %get3A_890 = arith.constant 0 : index
    %get3A_891 = tpu.vector_load %arg6[%get3A_889, %get3A_890] {strides = array<i32>} : memref<40x16xf32, #tpu.memory_space<vmem>>, vector<16xf32>,
    %add3A_892 = arith.constant 9.99999974E-5 : f32
    %add3A_893 = vector.broadcast %add3A_892 : f32 to vector<16xf32>
    %add3A_894 = arith.addf %get3A_891, %add3A_893 : vector<16xf32>
    %get3A_895 = arith.constant 1 : i32
    %get3A_896 = arith.index_cast %get3A_895 : i32 to index
    %get3A_897 = arith.constant 0 : index
    %get3A_898 = tpu.vector_load %arg6[%get3A_896, %get3A_897] {strides = array<i32>} : memref<40x16xf32, #tpu.memory_space<vmem>>, vector<16xf32>,
    %div3A_899 = arith.divf %get3A_898, %add3A_894 : vector<16xf32>
    tpu.vector_store_idx %arg8[%add3A_13], %div3A_899 : memref<384xf32, #tpu.memory_space<vmem>>[vector<16xi32>], vector<16xf32>,
    %get3A_900 = arith.constant 2 : i32
    %get3A_901 = arith.index_cast %get3A_900 : i32 to index
    %get3A_902 = arith.constant 0 : index
    %get3A_903 = tpu.vector_load %arg6[%get3A_901, %get3A_902] {strides = array<i32>} : memref<40x16xf32, #tpu.memory_space<vmem>>, vector<16xf32>,
    %div3A_904 = arith.divf %get3A_903, %add3A_894 : vector<16xf32>
    tpu.vector_store_idx %arg8[%add3A_19], %div3A_904 : memref<384xf32, #tpu.memory_space<vmem>>[vector<16xi32>], vector<16xf32>,
    %get3A_905 = arith.constant 3 : i32
    %get3A_906 = arith.index_cast %get3A_905 : i32 to index
    %get3A_907 = arith.constant 0 : index
    %get3A_908 = tpu.vector_load %arg6[%get3A_906, %get3A_907] {strides = array<i32>} : memref<40x16xf32, #tpu.memory_space<vmem>>, vector<16xf32>,
    %div3A_909 = arith.divf %get3A_908, %add3A_894 : vector<16xf32>
    tpu.vector_store_idx %arg8[%add3A_25], %div3A_909 : memref<384xf32, #tpu.memory_space<vmem>>[vector<16xi32>], vector<16xf32>,
    %get3A_910 = arith.constant 4 : i32
    %get3A_911 = arith.index_cast %get3A_910 : i32 to index
    %get3A_912 = arith.constant 0 : index
    %get3A_913 = tpu.vector_load %arg6[%get3A_911, %get3A_912] {strides = array<i32>} : memref<40x16xf32, #tpu.memory_space<vmem>>, vector<16xf32>,
    %add3A_914 = arith.constant 9.99999974E-5 : f32
    %add3A_915 = vector.broadcast %add3A_914 : f32 to vector<16xf32>
    %add3A_916 = arith.addf %get3A_913, %add3A_915 : vector<16xf32>
    %get3A_917 = arith.constant 5 : i32
    %get3A_918 = arith.index_cast %get3A_917 : i32 to index
    %get3A_919 = arith.constant 0 : index
    %get3A_920 = tpu.vector_load %arg6[%get3A_918, %get3A_919] {strides = array<i32>} : memref<40x16xf32, #tpu.memory_space<vmem>>, vector<16xf32>,
    %div3A_921 = arith.divf %get3A_920, %add3A_916 : vector<16xf32>
    tpu.vector_store_idx %arg8[%add3A_31], %div3A_921 : memref<384xf32, #tpu.memory_space<vmem>>[vector<16xi32>], vector<16xf32>,
    %get3A_922 = arith.constant 6 : i32
    %get3A_923 = arith.index_cast %get3A_922 : i32 to index
    %get3A_924 = arith.constant 0 : index
    %get3A_925 = tpu.vector_load %arg6[%get3A_923, %get3A_924] {strides = array<i32>} : memref<40x16xf32, #tpu.memory_space<vmem>>, vector<16xf32>,
    %div3A_926 = arith.divf %get3A_925, %add3A_916 : vector<16xf32>
    tpu.vector_store_idx %arg8[%add3A_37], %div3A_926 : memref<384xf32, #tpu.memory_space<vmem>>[vector<16xi32>], vector<16xf32>,
    %get3A_927 = arith.constant 7 : i32
    %get3A_928 = arith.index_cast %get3A_927 : i32 to index
    %get3A_929 = arith.constant 0 : index
    %get3A_930 = tpu.vector_load %arg6[%get3A_928, %get3A_929] {strides = array<i32>} : memref<40x16xf32, #tpu.memory_space<vmem>>, vector<16xf32>,
    %div3A_931 = arith.divf %get3A_930, %add3A_916 : vector<16xf32>
    tpu.vector_store_idx %arg8[%add3A_43], %div3A_931 : memref<384xf32, #tpu.memory_space<vmem>>[vector<16xi32>], vector<16xf32>,
    %get3A_932 = arith.constant 8 : i32
    %get3A_933 = arith.index_cast %get3A_932 : i32 to index
    %get3A_934 = arith.constant 0 : index
    %get3A_935 = tpu.vector_load %arg6[%get3A_933, %get3A_934] {strides = array<i32>} : memref<40x16xf32, #tpu.memory_space<vmem>>, vector<16xf32>,
    %add3A_936 = arith.constant 9.99999974E-5 : f32
    %add3A_937 = vector.broadcast %add3A_936 : f32 to vector<16xf32>
    %add3A_938 = arith.addf %get3A_935, %add3A_937 : vector<16xf32>
    %get3A_939 = arith.constant 9 : i32
    %get3A_940 = arith.index_cast %get3A_939 : i32 to index
    %get3A_941 = arith.constant 0 : index
    %get3A_942 = tpu.vector_load %arg6[%get3A_940, %get3A_941] {strides = array<i32>} : memref<40x16xf32, #tpu.memory_space<vmem>>, vector<16xf32>,
    %div3A_943 = arith.divf %get3A_942, %add3A_938 : vector<16xf32>
    tpu.vector_store_idx %arg8[%add3A_49], %div3A_943 : memref<384xf32, #tpu.memory_space<vmem>>[vector<16xi32>], vector<16xf32>,
    %get3A_944 = arith.constant 10 : i32
    %get3A_945 = arith.index_cast %get3A_944 : i32 to index
    %get3A_946 = arith.constant 0 : index
    %get3A_947 = tpu.vector_load %arg6[%get3A_945, %get3A_946] {strides = array<i32>} : memref<40x16xf32, #tpu.memory_space<vmem>>, vector<16xf32>,
    %div3A_948 = arith.divf %get3A_947, %add3A_938 : vector<16xf32>
    tpu.vector_store_idx %arg8[%add3A_55], %div3A_948 : memref<384xf32, #tpu.memory_space<vmem>>[vector<16xi32>], vector<16xf32>,
    %get3A_949 = arith.constant 11 : i32
    %get3A_950 = arith.index_cast %get3A_949 : i32 to index
    %get3A_951 = arith.constant 0 : index
    %get3A_952 = tpu.vector_load %arg6[%get3A_950, %get3A_951] {strides = array<i32>} : memref<40x16xf32, #tpu.memory_space<vmem>>, vector<16xf32>,
    %div3A_953 = arith.divf %get3A_952, %add3A_938 : vector<16xf32>
    tpu.vector_store_idx %arg8[%add3A_61], %div3A_953 : memref<384xf32, #tpu.memory_space<vmem>>[vector<16xi32>], vector<16xf32>,
    %get3A_954 = arith.constant 12 : i32
    %get3A_955 = arith.index_cast %get3A_954 : i32 to index
    %get3A_956 = arith.constant 0 : index
    %get3A_957 = tpu.vector_load %arg6[%get3A_955, %get3A_956] {strides = array<i32>} : memref<40x16xf32, #tpu.memory_space<vmem>>, vector<16xf32>,
    %add3A_958 = arith.constant 9.99999974E-5 : f32
    %add3A_959 = vector.broadcast %add3A_958 : f32 to vector<16xf32>
    %add3A_960 = arith.addf %get3A_957, %add3A_959 : vector<16xf32>
    %get3A_961 = arith.constant 13 : i32
    %get3A_962 = arith.index_cast %get3A_961 : i32 to index
    %get3A_963 = arith.constant 0 : index
    %get3A_964 = tpu.vector_load %arg6[%get3A_962, %get3A_963] {strides = array<i32>} : memref<40x16xf32, #tpu.memory_space<vmem>>, vector<16xf32>,
    %div3A_965 = arith.divf %get3A_964, %add3A_960 : vector<16xf32>
    tpu.vector_store_idx %arg8[%add3A_67], %div3A_965 : memref<384xf32, #tpu.memory_space<vmem>>[vector<16xi32>], vector<16xf32>,
    %get3A_966 = arith.constant 14 : i32
    %get3A_967 = arith.index_cast %get3A_966 : i32 to index
    %get3A_968 = arith.constant 0 : index
    %get3A_969 = tpu.vector_load %arg6[%get3A_967, %get3A_968] {strides = array<i32>} : memref<40x16xf32, #tpu.memory_space<vmem>>, vector<16xf32>,
    %div3A_970 = arith.divf %get3A_969, %add3A_960 : vector<16xf32>
    tpu.vector_store_idx %arg8[%add3A_73], %div3A_970 : memref<384xf32, #tpu.memory_space<vmem>>[vector<16xi32>], vector<16xf32>,
    %get3A_971 = arith.constant 15 : i32
    %get3A_972 = arith.index_cast %get3A_971 : i32 to index
    %get3A_973 = arith.constant 0 : index
    %get3A_974 = tpu.vector_load %arg6[%get3A_972, %get3A_973] {strides = array<i32>} : memref<40x16xf32, #tpu.memory_space<vmem>>, vector<16xf32>,
    %div3A_975 = arith.divf %get3A_974, %add3A_960 : vector<16xf32>
    tpu.vector_store_idx %arg8[%add3A_79], %div3A_975 : memref<384xf32, #tpu.memory_space<vmem>>[vector<16xi32>], vector<16xf32>,
    %get3A_976 = arith.constant 16 : i32
    %get3A_977 = arith.index_cast %get3A_976 : i32 to index
    %get3A_978 = arith.constant 0 : index
    %get3A_979 = tpu.vector_load %arg6[%get3A_977, %get3A_978] {strides = array<i32>} : memref<40x16xf32, #tpu.memory_space<vmem>>, vector<16xf32>,
    %add3A_980 = arith.constant 9.99999974E-5 : f32
    %add3A_981 = vector.broadcast %add3A_980 : f32 to vector<16xf32>
    %add3A_982 = arith.addf %get3A_979, %add3A_981 : vector<16xf32>
    %get3A_983 = arith.constant 17 : i32
    %get3A_984 = arith.index_cast %get3A_983 : i32 to index
    %get3A_985 = arith.constant 0 : index
    %get3A_986 = tpu.vector_load %arg6[%get3A_984, %get3A_985] {strides = array<i32>} : memref<40x16xf32, #tpu.memory_space<vmem>>, vector<16xf32>,
    %div3A_987 = arith.divf %get3A_986, %add3A_982 : vector<16xf32>
    tpu.vector_store_idx %arg8[%add3A_85], %div3A_987 : memref<384xf32, #tpu.memory_space<vmem>>[vector<16xi32>], vector<16xf32>,
    %get3A_988 = arith.constant 18 : i32
    %get3A_989 = arith.index_cast %get3A_988 : i32 to index
    %get3A_990 = arith.constant 0 : index
    %get3A_991 = tpu.vector_load %arg6[%get3A_989, %get3A_990] {strides = array<i32>} : memref<40x16xf32, #tpu.memory_space<vmem>>, vector<16xf32>,
    %div3A_992 = arith.divf %get3A_991, %add3A_982 : vector<16xf32>
    tpu.vector_store_idx %arg8[%add3A_91], %div3A_992 : memref<384xf32, #tpu.memory_space<vmem>>[vector<16xi32>], vector<16xf32>,
    %get3A_993 = arith.constant 19 : i32
    %get3A_994 = arith.index_cast %get3A_993 : i32 to index
    %get3A_995 = arith.constant 0 : index
    %get3A_996 = tpu.vector_load %arg6[%get3A_994, %get3A_995] {strides = array<i32>} : memref<40x16xf32, #tpu.memory_space<vmem>>, vector<16xf32>,
    %div3A_997 = arith.divf %get3A_996, %add3A_982 : vector<16xf32>
    tpu.vector_store_idx %arg8[%add3A_97], %div3A_997 : memref<384xf32, #tpu.memory_space<vmem>>[vector<16xi32>], vector<16xf32>,
    %get3A_998 = arith.constant 20 : i32
    %get3A_999 = arith.index_cast %get3A_998 : i32 to index
    %get3A_1000 = arith.constant 0 : index
    %get3A_1001 = tpu.vector_load %arg6[%get3A_999, %get3A_1000] {strides = array<i32>} : memref<40x16xf32, #tpu.memory_space<vmem>>, vector<16xf32>,
    %add3A_1002 = arith.constant 9.99999974E-5 : f32
    %add3A_1003 = vector.broadcast %add3A_1002 : f32 to vector<16xf32>
    %add3A_1004 = arith.addf %get3A_1001, %add3A_1003 : vector<16xf32>
    %get3A_1005 = arith.constant 21 : i32
    %get3A_1006 = arith.index_cast %get3A_1005 : i32 to index
    %get3A_1007 = arith.constant 0 : index
    %get3A_1008 = tpu.vector_load %arg6[%get3A_1006, %get3A_1007] {strides = array<i32>} : memref<40x16xf32, #tpu.memory_space<vmem>>, vector<16xf32>,
    %div3A_1009 = arith.divf %get3A_1008, %add3A_1004 : vector<16xf32>
    tpu.vector_store_idx %arg8[%add3A_103], %div3A_1009 : memref<384xf32, #tpu.memory_space<vmem>>[vector<16xi32>], vector<16xf32>,
    %get3A_1010 = arith.constant 22 : i32
    %get3A_1011 = arith.index_cast %get3A_1010 : i32 to index
    %get3A_1012 = arith.constant 0 : index
    %get3A_1013 = tpu.vector_load %arg6[%get3A_1011, %get3A_1012] {strides = array<i32>} : memref<40x16xf32, #tpu.memory_space<vmem>>, vector<16xf32>,
    %div3A_1014 = arith.divf %get3A_1013, %add3A_1004 : vector<16xf32>
    tpu.vector_store_idx %arg8[%add3A_109], %div3A_1014 : memref<384xf32, #tpu.memory_space<vmem>>[vector<16xi32>], vector<16xf32>,
    %get3A_1015 = arith.constant 23 : i32
    %get3A_1016 = arith.index_cast %get3A_1015 : i32 to index
    %get3A_1017 = arith.constant 0 : index
    %get3A_1018 = tpu.vector_load %arg6[%get3A_1016, %get3A_1017] {strides = array<i32>} : memref<40x16xf32, #tpu.memory_space<vmem>>, vector<16xf32>,
    %div3A_1019 = arith.divf %get3A_1018, %add3A_1004 : vector<16xf32>
    tpu.vector_store_idx %arg8[%add3A_115], %div3A_1019 : memref<384xf32, #tpu.memory_space<vmem>>[vector<16xi32>], vector<16xf32>,
    %get3A_1020 = arith.constant 24 : i32
    %get3A_1021 = arith.index_cast %get3A_1020 : i32 to index
    %get3A_1022 = arith.constant 0 : index
    %get3A_1023 = tpu.vector_load %arg6[%get3A_1021, %get3A_1022] {strides = array<i32>} : memref<40x16xf32, #tpu.memory_space<vmem>>, vector<16xf32>,
    %add3A_1024 = arith.constant 9.99999974E-5 : f32
    %add3A_1025 = vector.broadcast %add3A_1024 : f32 to vector<16xf32>
    %add3A_1026 = arith.addf %get3A_1023, %add3A_1025 : vector<16xf32>
    %get3A_1027 = arith.constant 25 : i32
    %get3A_1028 = arith.index_cast %get3A_1027 : i32 to index
    %get3A_1029 = arith.constant 0 : index
    %get3A_1030 = tpu.vector_load %arg6[%get3A_1028, %get3A_1029] {strides = array<i32>} : memref<40x16xf32, #tpu.memory_space<vmem>>, vector<16xf32>,
    %div3A_1031 = arith.divf %get3A_1030, %add3A_1026 : vector<16xf32>
    tpu.vector_store_idx %arg8[%add3A_121], %div3A_1031 : memref<384xf32, #tpu.memory_space<vmem>>[vector<16xi32>], vector<16xf32>,
    %get3A_1032 = arith.constant 26 : i32
    %get3A_1033 = arith.index_cast %get3A_1032 : i32 to index
    %get3A_1034 = arith.constant 0 : index
    %get3A_1035 = tpu.vector_load %arg6[%get3A_1033, %get3A_1034] {strides = array<i32>} : memref<40x16xf32, #tpu.memory_space<vmem>>, vector<16xf32>,
    %div3A_1036 = arith.divf %get3A_1035, %add3A_1026 : vector<16xf32>
    tpu.vector_store_idx %arg8[%add3A_127], %div3A_1036 : memref<384xf32, #tpu.memory_space<vmem>>[vector<16xi32>], vector<16xf32>,
    %get3A_1037 = arith.constant 27 : i32
    %get3A_1038 = arith.index_cast %get3A_1037 : i32 to index
    %get3A_1039 = arith.constant 0 : index
    %get3A_1040 = tpu.vector_load %arg6[%get3A_1038, %get3A_1039] {strides = array<i32>} : memref<40x16xf32, #tpu.memory_space<vmem>>, vector<16xf32>,
    %div3A_1041 = arith.divf %get3A_1040, %add3A_1026 : vector<16xf32>
    tpu.vector_store_idx %arg8[%add3A_133], %div3A_1041 : memref<384xf32, #tpu.memory_space<vmem>>[vector<16xi32>], vector<16xf32>,
    %get3A_1042 = arith.constant 28 : i32
    %get3A_1043 = arith.index_cast %get3A_1042 : i32 to index
    %get3A_1044 = arith.constant 0 : index
    %get3A_1045 = tpu.vector_load %arg6[%get3A_1043, %get3A_1044] {strides = array<i32>} : memref<40x16xf32, #tpu.memory_space<vmem>>, vector<16xf32>,
    %add3A_1046 = arith.constant 9.99999974E-5 : f32
    %add3A_1047 = vector.broadcast %add3A_1046 : f32 to vector<16xf32>
    %add3A_1048 = arith.addf %get3A_1045, %add3A_1047 : vector<16xf32>
    %get3A_1049 = arith.constant 29 : i32
    %get3A_1050 = arith.index_cast %get3A_1049 : i32 to index
    %get3A_1051 = arith.constant 0 : index
    %get3A_1052 = tpu.vector_load %arg6[%get3A_1050, %get3A_1051] {strides = array<i32>} : memref<40x16xf32, #tpu.memory_space<vmem>>, vector<16xf32>,
    %div3A_1053 = arith.divf %get3A_1052, %add3A_1048 : vector<16xf32>
    tpu.vector_store_idx %arg8[%add3A_139], %div3A_1053 : memref<384xf32, #tpu.memory_space<vmem>>[vector<16xi32>], vector<16xf32>,
    %get3A_1054 = arith.constant 30 : i32
    %get3A_1055 = arith.index_cast %get3A_1054 : i32 to index
    %get3A_1056 = arith.constant 0 : index
    %get3A_1057 = tpu.vector_load %arg6[%get3A_1055, %get3A_1056] {strides = array<i32>} : memref<40x16xf32, #tpu.memory_space<vmem>>, vector<16xf32>,
    %div3A_1058 = arith.divf %get3A_1057, %add3A_1048 : vector<16xf32>
    tpu.vector_store_idx %arg8[%add3A_145], %div3A_1058 : memref<384xf32, #tpu.memory_space<vmem>>[vector<16xi32>], vector<16xf32>,
    %get3A_1059 = arith.constant 31 : i32
    %get3A_1060 = arith.index_cast %get3A_1059 : i32 to index
    %get3A_1061 = arith.constant 0 : index
    %get3A_1062 = tpu.vector_load %arg6[%get3A_1060, %get3A_1061] {strides = array<i32>} : memref<40x16xf32, #tpu.memory_space<vmem>>, vector<16xf32>,
    %div3A_1063 = arith.divf %get3A_1062, %add3A_1048 : vector<16xf32>
    tpu.vector_store_idx %arg8[%add3A_151], %div3A_1063 : memref<384xf32, #tpu.memory_space<vmem>>[vector<16xi32>], vector<16xf32>,
    %mul3A_1064 = arith.constant 24 : i32
    %mul3A_1065 = arith.muli %add3A_743, %mul3A_1064 : i32
    "tpu.region"() ({
      %run_scoped3A = tpu.sem_alloc : memref<!tpu.dma_semaphore, #tpu.memory_space<semaphore_mem>>
      %dma_start3A_1069 = tpu.memref_slice %arg3[%mul3A_1065] : memref<393216xf32, #tpu.memory_space<hbm>> -> memref<384xf32, #tpu.memory_space<hbm>>
      %dma_start3A_1070 = tpu.memref_slice %arg3[%mul3A_1065] : memref<393216xf32, #tpu.memory_space<hbm>> -> memref<384xf32, #tpu.memory_space<hbm>>
      tpu.enqueue_dma source(%arg8 : memref<384xf32, #tpu.memory_space<vmem>>) target(%dma_start3A_1070 : memref<384xf32, #tpu.memory_space<hbm>>) target_semaphore(%run_scoped3A : memref<!tpu.dma_semaphore, #tpu.memory_space<semaphore_mem>>)
      %dma_wait3A_1071 = tpu.memref_slice %arg3[%mul3A_1065] : memref<393216xf32, #tpu.memory_space<hbm>> -> memref<384xf32, #tpu.memory_space<hbm>>
      %dma_wait3A_1072 = tpu.memref_slice %arg3[%mul3A_1065] : memref<393216xf32, #tpu.memory_space<hbm>> -> memref<384xf32, #tpu.memory_space<hbm>>
      tpu.wait_dma2 semaphore(%run_scoped3A : memref<!tpu.dma_semaphore, #tpu.memory_space<semaphore_mem>>) src(%arg8 : memref<384xf32, #tpu.memory_space<vmem>>) dst(%dma_wait3A_1072 : memref<384xf32, #tpu.memory_space<hbm>>)
      tpu.yield
    }) : () -> ()
    %mul3A_1066 = arith.constant 128 : i32
    %mul3A_1067 = arith.muli %add3A_743, %mul3A_1066 : i32
    "tpu.region"() ({
      %run_scoped3A = tpu.sem_alloc : memref<!tpu.dma_semaphore, #tpu.memory_space<semaphore_mem>>
      %dma_start3A_1069 = tpu.memref_slice %arg4[%mul3A_1067] : memref<2097152xf32, #tpu.memory_space<hbm>> -> memref<2048xf32, #tpu.memory_space<hbm>>
      %dma_start3A_1070 = tpu.memref_slice %arg4[%mul3A_1067] : memref<2097152xf32, #tpu.memory_space<hbm>> -> memref<2048xf32, #tpu.memory_space<hbm>>
      tpu.enqueue_dma source(%arg7 : memref<2048xf32, #tpu.memory_space<vmem>>) target(%dma_start3A_1070 : memref<2048xf32, #tpu.memory_space<hbm>>) target_semaphore(%run_scoped3A : memref<!tpu.dma_semaphore, #tpu.memory_space<semaphore_mem>>)
      %dma_wait3A_1071 = tpu.memref_slice %arg4[%mul3A_1067] : memref<2097152xf32, #tpu.memory_space<hbm>> -> memref<2048xf32, #tpu.memory_space<hbm>>
      %dma_wait3A_1072 = tpu.memref_slice %arg4[%mul3A_1067] : memref<2097152xf32, #tpu.memory_space<hbm>> -> memref<2048xf32, #tpu.memory_space<hbm>>
      tpu.wait_dma2 semaphore(%run_scoped3A : memref<!tpu.dma_semaphore, #tpu.memory_space<semaphore_mem>>) src(%arg7 : memref<2048xf32, #tpu.memory_space<vmem>>) dst(%dma_wait3A_1072 : memref<2048xf32, #tpu.memory_space<hbm>>)
      tpu.yield
    }) : () -> ()
    %scan3A_1068 = arith.constant 1 : i32
    return
  }
}

</mosaic_0001>

<sc_bundles>
// kernel: kernel.3.cloned.1.call-start
scs
__scs_entry_jumppad:
0x0: {  	(pc) =	sbr.rel $0x88, $3  }
0x1: {  	(tag) =	ssettag $0x0;
	lr =	simm.s32 $0x1  }
0x2: {  	[smem:$0x3FA0] =	sst lr;
	_ =	strace $0xD0000000  }
0x3: {  	_ = 	snop  }
0x4: {  	_ = 	snop  }
0x5: {  	_ = 	snop  }
0x6: {  	_ = 	snop  }
0x7: {  	_ = 	snop  }
__scs_overlays_trampoline_lowered:
0x8: {  	[smem:$0x3FAF] =	sst s0  }
0x9: {  	[smem:$0x3FB0] =	sst s1  }
0xa: {  	[smem:$0x3FB1] =	sst s2  }
0xb: {  	[smem:$0x3FB2] =	sst s3  }
0xc: {  	[smem:$0x3FB3] =	sst s4  }
0xd: {  	[smem:$0x3FB4] =	sst s5  }
0xe: {  	[smem:$0x3FB5] =	sst s6  }
0xf: {  	[smem:$0x3FB6] =	sst s7  }
0x10: {  	[smem:$0x3FB7] =	sst s8  }
0x11: {  	[smem:$0x3FB8] =	sst s9;
	s0 =	simm.s32 @!p0 $0x0  }
0x12: {  	s1 =	sld [smem:$0x3F9E];
	s0 =	simm.s32 @p0 $0x1  }
0x13: {  	[smem:$0x3FB9] =	sst s0;
	s0 =	simm.s32 @!p1 $0x0  }
0x14: {  	s2 =	sld [smem:$0x3F9D];
	s0 =	simm.s32 @p1 $0x1  }
0x15: {  	[smem:$0x3FBA] =	sst s0;
	s0 =	simm.s32 @!p2 $0x0  }
0x16: {  	s3 =	sld [smem:$0x3FDB];
	s0 =	simm.s32 @p2 $0x1  }
0x17: {  	s4 =	simm.s32 $0x1BF5;
	[smem:$0x3FBC] =	sst s0  }
0x18: {  	s0 =	sld [smem:$0x3F9F];
	_ =	swait.ge [sflag:s4], $0x0  }
0x19: {  	s7 =	sld [smem:$0x3FA0]  }
0x1a: {  	s8 =	sadd.s32 $0xFFFFE003, lr  }
0x1b: {  	s9 =	sadd.s32 $0xFFFFFEF7, lr;
	s5 =	simm.s32 $0xFFFFFFFF;
	p2 =	slt.u32 s8, $0xFFFFF086  }
0x1c: {  	p1 =	slt.u32 s9, $0xF7A;
	s5 =	simm.s32 @!p2 $0x0  }
0x1d: {  	s5 =	simm.s32 @p1 $0x1;
	p0 =	seq.s32 s7, s2  }
0x1e: {  	s7 =	smul.u32 @!p0 $0xF7A, s2;
	p2 =	seq.s32 @!p0 s5, $0x0  }
0x1f: {  	s9 =	smul.u32 $0xF7A, s1;
	s8 =	simm.s32 @!p0 $0x1BF5;
	p2 =	por !p2, p0  }
0x20: {  	[sflag:s8] =	ssyncset.s32 @!p0 $0xFFFFF086;
	s6 =	sadd.s32 @!p0 s3, s7;
	s7 =	simm.s32 @!p0 $0x108  }
0x21: {  	s3 =	sadd.s32 s3, s9;
	s6 =	sadd.s32 @!p0 $0x88, s6;
	s7 =	simm.s32 @p2 $0x1082  }
0x22: {  	[simem:s7], [sflag:s8] =	dma.local @!p0 [hbm:s6], $0xF7A  }
0x23: {  	s9 =	sor.u32 $0xD0000000, s2;
	s6 =	simm.s32 $0x108;
	_ =	swait.ge @!p0 [sflag:s8], $0x0  }
0x24: {  	s3 =	sadd.s32 $0x88, s3;
	s6 =	simm.s32 @!p1 $0x1082;
	[sflag:s4] =	ssyncset.s32 $0xFFFFF086  }
0x25: {  	[simem:s6], [sflag:s4] =	dma.local [hbm:s3], $0xF7A  }
0x26: {  	[smem:$0x3FA0] =	sst s1;
	(tag) =	ssettag s2;
	_ =	strace s9  }
0x27: {  	s1 =	sld [smem:$0x3FB0]  }
0x28: {  	s2 =	sld [smem:$0x3FB1]  }
0x29: {  	s4 =	sld [smem:$0x3FB3]  }
0x2a: {  	p0 =	seq.s32 s5, $0x0;
	s5 =	sld [smem:$0x3FB4]  }
0x2b: {  	s6 =	sld [smem:$0x3FB5]  }
0x2c: {  	s7 =	sld [smem:$0x3FB6]  }
0x2d: {  	s3 =	simm.s32 $0x108;
	s8 =	sld [smem:$0x3FB7]  }
0x2e: {  	s3 =	simm.s32 @!p0 $0x1082;
	s9 =	sld [smem:$0x3FB8]  }
0x2f: {  	lr =	sadd.s32 s0, s3;
	s0 =	sld [smem:$0x3FAF]  }
0x30: {  	s3 =	sld [smem:$0x3FB2]  }
0x31: {  	[smem:$0x3FBB] =	sst s10  }
0x32: {  	s10 =	sld [smem:$0x3FB9];
	_ =	sdelay $0x3  }
0x33: {  	p0 =	seq.s32 s10, $0x1;
	s10 =	sld [smem:$0x3FBB];
	_ =	sdelay $0x3  }
0x34: {  	[smem:$0x3FBB] =	sst s10  }
0x35: {  	s10 =	sld [smem:$0x3FBA];
	_ =	sdelay $0x3  }
0x36: {  	p1 =	seq.s32 s10, $0x1;
	s10 =	sld [smem:$0x3FBB];
	_ =	sdelay $0x3  }
0x37: {  	[smem:$0x3FBB] =	sst s10  }
0x38: {  	s10 =	sld [smem:$0x3FBC]  }
0x39: {  	_ = 	snop;
	(pc) =	sbr.ind lr, $3  }
0x3a: {  	_ = 	snop  }
0x3b: {  	_ = 	snop  }
0x3c: {  	p2 =	seq.s32 s10, $0x1;
	s10 =	sld [smem:$0x3FBB]  }
0x3d: {  	_ =	shalt  }
0x3e: {  	_ =	shalt  }
0x3f: {  	_ =	shalt  }
0x40: {  	_ =	shalt  }
0x41: {  	_ =	shalt  }
0x42: {  	_ =	shalt  }
0x43: {  	_ =	shalt  }
0x44: {  	_ =	shalt  }
0x45: {  	_ =	shalt  }
0x46: {  	_ =	shalt  }
0x47: {  	_ =	shalt  }
0x48: {  	_ =	shalt  }
0x49: {  	_ =	shalt  }
0x4a: {  	_ =	shalt  }
0x4b: {  	_ =	shalt  }
0x4c: {  	_ =	shalt  }
0x4d: {  	_ =	shalt  }
0x4e: {  	_ =	shalt  }
0x4f: {  	_ =	shalt  }
0x50: {  	_ =	shalt  }
0x51: {  	_ =	shalt  }
0x52: {  	_ =	shalt  }
0x53: {  	_ =	shalt  }
0x54: {  	_ =	shalt  }
0x55: {  	_ =	shalt  }
0x56: {  	_ =	shalt  }
0x57: {  	_ =	shalt  }
0x58: {  	_ =	shalt  }
0x59: {  	_ =	shalt  }
0x5a: {  	_ =	shalt  }
0x5b: {  	_ =	shalt  }
0x5c: {  	_ =	shalt  }
0x5d: {  	_ =	shalt  }
0x5e: {  	_ =	shalt  }
0x5f: {  	_ =	shalt  }
0x60: {  	_ =	shalt  }
0x61: {  	_ =	shalt  }
0x62: {  	_ =	shalt  }
0x63: {  	_ =	shalt  }
0x64: {  	_ =	shalt  }
0x65: {  	_ =	shalt  }
0x66: {  	_ =	shalt  }
0x67: {  	_ =	shalt  }
0x68: {  	_ =	shalt  }
0x69: {  	_ =	shalt  }
0x6a: {  	_ =	shalt  }
0x6b: {  	_ =	shalt  }
0x6c: {  	_ =	shalt  }
0x6d: {  	_ =	shalt  }
0x6e: {  	_ =	shalt  }
0x6f: {  	_ =	shalt  }
0x70: {  	_ =	shalt  }
0x71: {  	_ =	shalt  }
0x72: {  	_ =	shalt  }
0x73: {  	_ =	shalt  }
0x74: {  	_ =	shalt  }
0x75: {  	_ =	shalt  }
0x76: {  	_ =	shalt  }
0x77: {  	_ =	shalt  }
0x78: {  	_ =	shalt  }
0x79: {  	_ =	shalt  }
0x7a: {  	_ =	shalt  }
0x7b: {  	_ =	shalt  }
0x7c: {  	_ =	shalt  }
0x7d: {  	_ =	shalt  }
0x7e: {  	_ =	shalt  }
0x7f: {  	_ =	shalt  }
0x80: {  	_ =	shalt  }
0x81: {  	_ =	shalt  }
0x82: {  	_ =	shalt  }
0x83: {  	_ =	shalt  }
0x84: {  	_ =	shalt  }
0x85: {  	_ =	shalt  }
0x86: {  	_ =	shalt  }
0x87: {  	_ =	shalt  }
.Lfunc_end0:
.L_simem_size_0:
called_computation_lowered:
.L_overlay_start_0:
0x88: {  	s2 =	sld [smem:$0x3FD9]  }
0x89: {  	s3 =	sld [smem:$0x3FFE];
	_ =	sdelay $0x1  }
0x8a: {  	s1 =	srdreg.scid  }
0x8b: {  	s0 =	sand.u32 $0x1, s1  }
0x8c: {  	s14 =	sshll.u32 s0, $0xA;
	s2 =	sadd.s32 s3, s2  }
0x8d: {  	s2 =	sadd.s32 s2, s14  }
0x8e: {  	[smem:$0x3FC7] =	sst s2  }
0x8f: {  	_ = 	snop  }
0x90: {  	s2 =	sld [smem:$0x3FD0];
	_ =	sdelay $0x2  }
0x91: {  	s15 =	simm.s32 $0xA;
	s4 =	simm.s32 $0x10  }
0x92: {  	[smem:s4], [sflag:s15] =	dma.local [hbm:s2], $0x1  }
0x93: {  	_ =	swait.eq [sflag:s15], $0x1  }
0x94: {  	[sflag:s15] =	ssyncset.done $0x0  }
0x95: {  	s16 =	sld [smem:$0x10];
	[sflag:s15] =	ssyncadd.s32 $0xFFFFFFFF  }
0x96: {  	s17 =	sld [smem:$0x11];
	(tm) =	ssettm $0x1  }
0x97: {  	s18 =	sld [smem:$0x3FFB];
	_ =	sdelay $0x3  }
0x98: {  	_ =	strace s18  }
0x99: {  	s4 =	sld [smem:$0x3FFC];
	_ =	sdelay $0x3  }
0x9a: {  	_ =	strace s4  }
0x9b: {  	s4 =	sld [smem:$0x3FFD];
	_ =	sdelay $0x3  }
0x9c: {  	_ =	strace s4  }
0x9d: {  	_ =	strace $0x8FFFFFFF  }
0x9e: {  	s19 =	sld [smem:$0x3FDB];
	_ =	sdelay $0x1  }
0x9f: {  	s5 =	simm.s32 $_scs_section_size  }
0xa0: {  	s6 =	simm.s32 $_size__tile_overlayer_lowered;
	s7 =	simm.s32 $_tile_overlayer_lowered  }
0xa1: {  	s22 =	simm.s32 $0x1BFF;
	s21 =	sshll.u32 s7, $0x1;
	s4 =	sadd.s32 s5, s19  }
0xa2: {  	s8 =	simm.s32 $0x0;
	s20 =	sshll.u32 s6, $0x1;
	s6 =	sadd.s32 s21, s4  }
0xa3: {  	[timem:s8], [sflag:s22] =	dma.local [hbm:s6], s20  }
0xa4: {  	_ =	swait.ge [sflag:s22], s20  }
0xa5: {  	s5 =	ssub.s32 $0x0, s20;
	[sflag:s22] =	ssyncset.done $0x0  }
0xa6: {  	[sflag:s22] =	ssyncadd.s32 s5;
	_ =	sdelay $0x1  }
0xa7: {  	s23 =	simm.s32 $0x1B8B  }
0xa8: {  	_ =	swait.ge [sflag:s23], $0x1  }
0xa9: {  	[sflag:s23] =	ssyncset.done $0x0  }
0xaa: {  	s25 =	simm.s32 $0x1B8E;
	s24 =	sld [smem:$0x3FFE];
	[sflag:s23] =	ssyncadd.s32 $0xFFFFFFFF  }
0xab: {  	s26 =	simm.s32 $execute0_lowered;
	[smem:$0x3FD2] =	sst s25  }
0xac: {  	s6 =	sshll.u32 s26, $0x1;
	_ =	strace $0x80000046;
	[dreg:$0x1] =	wrdreg $0xFFFFFFFF  }
0xad: {  	s28 =	simm.s32 $_size_execute0_lowered;
	s4 =	sadd.s32 s4, s6;
	[dreg:$0x0] =	wrdreg $0x0  }
0xae: {  	s6 =	sshll.u32 s28, $0x1;
	[dreg:$0x2] =	wrdreg s4  }
0xaf: {  	[dreg:$0x3] =	wrdreg s6  }
0xb0: {  	[dreg:$0x4] =	wrdreg $0xC0  }
0xb1: {  	_ =	task [dreg:s8], $0x5FFFF  }
0xb2: {  	[dreg:$0x1] =	wrdreg $0xFFFFFFFF  }
0xb3: {  	[dreg:$0x0] =	wrdreg $0x60  }
0xb4: {  	[dreg:$0x2] =	wrdreg s24  }
0xb5: {  	[dreg:$0x3] =	wrdreg s16  }
0xb6: {  	[dreg:$0x4] =	wrdreg s17  }
0xb7: {  	[dreg:$0x5] =	wrdreg $0x9  }
0xb8: {  	_ =	task.clear_ibuf [dreg:s8], $0x6FFFF;
	_ =	strace $0x90000046  }
0xb9: {  	s29 =	simm.s32 $0x9;
	_ =	strace $0x80000048  }
0xba: {  	_ =	swait.ge [sflag:s29], $0x1  }
0xbb: {  	[sflag:s29] =	ssyncadd.s32 $0xFFFFFFFF  }
0xbc: {  	_ =	strace $0x90000048  }
0xbd: {  	_ =	sfence  }
0xbe: {  	s30 =	sld [smem:$0x0];
	_ =	sdelay $0x2  }
0xbf: {  	s31 =	sshll.u32 s1, $0xD;
	s1 =	sshrl.u32 s1, $0x2  }
0xc0: {  	s3 =	sand.u32 $0x4000, s31;
	s1 =	sadd.s32 s1, s30  }
0xc1: {  	s0 =	sor.u32 s3, s0;
	s1 =	sshll.u32 s1, $0x11  }
0xc2: {  	s0 =	sor.u32 s1, s0  }
0xc3: {  	s0 =	sadd.s32 $0x8F2B, s0  }
0xc4: {  	[sflag:s0] =	ssyncadd.remote.s32 $0x1  }
0xc5: {  	_ =	sfence.sel $0xFFFF  }
0xc6: {  	[dreg:$0x0] =	wrdreg $0xFFFFFFFF;
	(pc) =	sbr.abs _section_cstart, $3  }
0xc7: {  	[dreg:$0x1] =	wrdreg $0xFFFFFFFF  }
0xc8: {  	_ =	task.clear_ibuf [dreg:s8], $0x2FFFF;
	_ =	strace $0x9FFFFFFF  }
0xc9: {  	(tm) =	ssettm $0x7FFFFFFF  }
tec
execute0_lowered:
.L_overlay_start_1:
0x0: {  	(tag) =	ssettag $0x1  }
0x1: {  	s0 =	rddreg [dreg:$0x0]  }
0x2: {  	s11 =	rddreg [dreg:$0x1]  }
0x3: {  	s12 =	rddreg [dreg:$0x2];
	s1 =	simm.s32 $0x0  }
0x4: {  	s3 =	srdreg.scid;
	s2 =	stileid.u32;
	s17 =	simm.s32 $0x1  }
0x5: {  	s18 =	simm.s32 $0x2;
	s19 =	simm.s32 $0x3;
	s20 =	simm.s32 $0x4  }
0x6: {  	s21 =	simm.s32 $0x8000;
	s22 =	simm.s32 $0xA000;
	s28 =	simm.s32 $0x10280  }
0x7: {  	s29 =	simm.s32 $0x5;
	s30 =	simm.s32 $0x6;
	s31 =	simm.s32 $0x7  }
0x8: {  	[smem:$0x7FF] =	sst s1;
	s3 =	sand.u32 $0x1, s3;
	s5 =	sadd.s32 $0x10000800, s0  }
0x9: {  	s4 =	sshll.u32 s2, $0x1;
	s8 =	sadd.s32 $0x10000C00, s0;
	s24 =	sadd.s32 $0x10001000, s0  }
0xa: {  	v0 =	vimm.f32 $9.999999740e-05;
	_ =	strace $0x80000047;
	s9 =	sor.u32 s3, s4;
	s3 =	ssub.s32 $0x2, s3  }
0xb: {  	v1 =	vlaneseq.u32;
	s0 =	sadd.s32 $0x10001400, s0;
	(erf) = vrcp.f32 v0;
	s4 =	sshll.u32 s9, $0x11;
	s6 =	sshrl.u32 s3, $0x1  }
0xc: {  	v1 =	vmul.u32 $0x18, v1;
	s10 =	sshll.u32 s9, $0x9;
	s15 =	smul.u32 $0x600, s9;
	s25 =	sshll.u32 s9, $0xD  }
0xd: {  	v3 =	vimm.f32 $0.0e+00;
	s7 =	sadd.s32 s5, s4;
	s23 =	sadd.s32 s4, s8;
	s13 =	ssub.s32 s3, s6  }
0xe: {  	v4 =	vor.u32 $0x1, v1;
	v5 =	vor.u32 $0x2, v1;
	v6 =	vor.u32 $0x3, v1;
	s14 =	sor.u32 $0x10, s10;
	s3 =	sadd.s32 s4, s24;
	[dreg:$0x4] =	wrdreg s7  }
0xf: {  	v7 =	vor.u32 $0x4, v1;
	v8 =	vor.u32 $0x5, v1;
	v9 =	vor.u32 $0x6, v1;
	s4 =	sadd.s32 s4, s0;
	[dreg:$0x5] =	wrdreg s23;
	s10 =	sshll.u32 s14, $0x8  }
0x10: {  	v10 =	vor.u32 $0x7, v1;
	v11 =	vadd.s32 $0x8, v1;
	v12 =	vadd.s32 $0x9, v1;
	s16 =	smul.u32 $0x3, s14;
	s9 =	sadd.s32 s11, s15;
	s26 =	sshll.u32 s14, $0x4  }
0x11: {  	v13 =	vadd.s32 $0xA, v1;
	v14 =	vadd.s32 $0xB, v1;
	v15 =	vadd.s32 $0xC, v1;
	s13 =	smax.u32 s13, $0x1;
	s15 =	simm.s32 $0x4000;
	s23 =	simm.s32 $0xC000  }
0x12: {  	v16 =	vadd.s32 $0xD, v1;
	v17 =	vadd.s32 $0xE, v1;
	v18 =	vadd.s32 $0xF, v1;
	s5 =	sadd.s32 s5, s10;
	s6 =	sadd.s32 s10, s8;
	s7 =	sadd.s32 s10, s24  }
0x13: {  	v19 =	vadd.s32 $0x10, v1;
	v20 =	vadd.s32 $0x11, v1;
	v21 =	vadd.s32 $0x12, v1;
	s8 =	sadd.s32 s10, s0;
	s10 =	sadd.s32 s12, s25;
	s12 =	sadd.s32 s12, s26  }
0x14: {  	v22 =	vadd.s32 $0x13, v1;
	v23 =	vadd.s32 $0x14, v1;
	v24 =	vadd.s32 $0x15, v1;
	s24 =	simm.s32 $0xE000;
	s25 =	simm.s32 $0x10A80;
	s26 =	simm.s32 $0x9;
	v0 =	vpop (erf)  }
0x15: {  	v25 =	vadd.s32 $0x16, v1;
	v26 =	vadd.s32 $0x17, v1;
	s0 =	simm.s32 $0x8;
	s11 =	sadd.s32 s11, s16;
	s16 =	simm.s32 $0x6000;
	v2 =	vmul.f32 $0.0e+00, v0  }
.LBB2_1:
0x16: {  	s2 =	rddreg [dreg:$0x4]  }
0x17: {  	[tilespmem:s1], [sflag:$0x1] =	stream.linear.gather [hbm4b:s2+s1], $0x2000, $0x38;
	[tilespmem:$0x10C00] =	vst v63  }
0x18: {  	s14 =	rddreg [dreg:$0x5];
	s2 =	simm.s32 $0x2000  }
0x19: {  	[tilespmem:s2], [sflag:$0x2] =	stream.linear.gather [hbm4b:s14+s1], $0x2000, $0x38;
	[tilespmem:$0x10C00] =	vst v63  }
0x1a: {  	_ = 	snop  }
0x1b: {  	[tilespmem:s15], [sflag:$0x3] =	stream.linear.gather [hbm4b:s3+s1], $0x2000, $0x38;
	[tilespmem:$0x10C00] =	vst v63  }
0x1c: {  	_ = 	snop  }
0x1d: {  	[tilespmem:s16], [sflag:$0x4] =	stream.linear.gather [hbm4b:s4+s1], $0x2000, $0x38;
	[tilespmem:$0x10C00] =	vst v63  }
0x1e: {  	_ =	swait.ge [sflag:s17], $0x2000  }
0x1f: {  	[sflag:s17] =	ssyncset.done $0x0  }
0x20: {  	[sflag:s17] =	ssyncadd.s32 $0xFFFFE000  }
0x21: {  	_ =	swait.ge [sflag:s18], $0x2000  }
0x22: {  	[sflag:s18] =	ssyncset.done $0x0  }
0x23: {  	[sflag:s18] =	ssyncadd.s32 $0xFFFFE000  }
0x24: {  	_ =	swait.ge [sflag:s19], $0x2000  }
0x25: {  	[sflag:s19] =	ssyncset.done $0x0  }
0x26: {  	[sflag:s19] =	ssyncadd.s32 $0xFFFFE000  }
0x27: {  	_ =	swait.ge [sflag:s20], $0x2000  }
0x28: {  	[sflag:s20] =	ssyncset.done $0x0  }
0x29: {  	[sflag:s20] =	ssyncadd.s32 $0xFFFFE000  }
0x2a: {  	[tilespmem:s21], [sflag:$0x5] =	stream.linear.gather [hbm4b:s5+s1], $0x2000, $0x38;
	[tilespmem:$0x10C00] =	vst v63  }
0x2b: {  	_ = 	snop  }
0x2c: {  	[tilespmem:s22], [sflag:$0x6] =	stream.linear.gather [hbm4b:s6+s1], $0x2000, $0x38;
	[tilespmem:$0x10C00] =	vst v63  }
0x2d: {  	_ = 	snop  }
0x2e: {  	[tilespmem:s23], [sflag:$0x7] =	stream.linear.gather [hbm4b:s7+s1], $0x2000, $0x38;
	[tilespmem:$0x10C00] =	vst v63  }
0x2f: {  	_ = 	snop  }
0x30: {  	[tilespmem:s24], [sflag:$0x8] =	stream.linear.gather [hbm4b:s8+s1], $0x2000, $0x38;
	[tilespmem:$0x10C00] =	vst v63  }
0x31: {  	[tilespmem:$0x10000] =	vst v3  }
0x32: {  	[tilespmem:$0x10010] =	vst v3  }
0x33: {  	[tilespmem:$0x10020] =	vst v3  }
0x34: {  	[tilespmem:$0x10030] =	vst v3  }
0x35: {  	[tilespmem:$0x10040] =	vst v3  }
0x36: {  	[tilespmem:$0x10050] =	vst v3  }
0x37: {  	[tilespmem:$0x10060] =	vst v3  }
0x38: {  	[tilespmem:$0x10070] =	vst v3  }
0x39: {  	[tilespmem:$0x10080] =	vst v3  }
0x3a: {  	[tilespmem:$0x10090] =	vst v3  }
0x3b: {  	[tilespmem:$0x100A0] =	vst v3  }
0x3c: {  	[tilespmem:$0x100B0] =	vst v3  }
0x3d: {  	[tilespmem:$0x100C0] =	vst v3  }
0x3e: {  	[tilespmem:$0x100D0] =	vst v3  }
0x3f: {  	[tilespmem:$0x100E0] =	vst v3  }
0x40: {  	[tilespmem:$0x100F0] =	vst v3  }
0x41: {  	[tilespmem:$0x10100] =	vst v3  }
0x42: {  	[tilespmem:$0x10110] =	vst v3  }
0x43: {  	[tilespmem:$0x10120] =	vst v3  }
0x44: {  	[tilespmem:$0x10130] =	vst v3  }
0x45: {  	[tilespmem:$0x10140] =	vst v3  }
0x46: {  	[tilespmem:$0x10150] =	vst v3  }
0x47: {  	[tilespmem:$0x10160] =	vst v3  }
0x48: {  	[tilespmem:$0x10170] =	vst v3  }
0x49: {  	[tilespmem:$0x10180] =	vst v3  }
0x4a: {  	[tilespmem:$0x10190] =	vst v3  }
0x4b: {  	[tilespmem:$0x101A0] =	vst v3  }
0x4c: {  	[tilespmem:$0x101B0] =	vst v3  }
0x4d: {  	[tilespmem:$0x101C0] =	vst v3  }
0x4e: {  	[tilespmem:$0x101D0] =	vst v3  }
0x4f: {  	[tilespmem:$0x101E0] =	vst v3  }
0x50: {  	[tilespmem:$0x101F0] =	vst v3  }
0x51: {  	[tilespmem:$0x10200] =	vst v3  }
0x52: {  	[tilespmem:$0x10210] =	vst v3  }
0x53: {  	[tilespmem:$0x10220] =	vst v3  }
0x54: {  	[tilespmem:$0x10230] =	vst v3  }
0x55: {  	[tilespmem:v1+s25+$0x0] =	vst.idx.msk $0xffff, v2  }
0x56: {  	v27 =	vld [tilespmem:$0x10020];
	_ =	sdelay $0x4  }
0x57: {  	v27 =	vmul.f32 v27, v0;
	_ =	sdelay $0x1  }
0x58: {  	[tilespmem:v4+s25+$0x0] =	vst.idx.msk $0xffff, v27  }
0x59: {  	v27 =	vld [tilespmem:$0x10030];
	_ =	sdelay $0x4  }
0x5a: {  	v27 =	vmul.f32 v27, v0;
	_ =	sdelay $0x1  }
0x5b: {  	[tilespmem:v5+s25+$0x0] =	vst.idx.msk $0xffff, v27  }
0x5c: {  	v27 =	vld [tilespmem:$0x10040];
	_ =	sdelay $0x4  }
0x5d: {  	v27 =	vadd.f32 $9.999999740e-05, v27;
	_ =	sdelay $0x1  }
0x5e: {  	(erf) = vrcp.f32 v27;
	_ =	sdelay $0x4  }
0x5f: {  	v27 =	vld [tilespmem:$0x10050];
	_ =	sdelay $0x3  }
0x60: {  	v28 =	vpop (erf)  }
0x61: {  	v27 =	vmul.f32 v28, v27;
	_ =	sdelay $0x1  }
0x62: {  	[tilespmem:v6+s25+$0x0] =	vst.idx.msk $0xffff, v27  }
0x63: {  	v27 =	vld [tilespmem:$0x10060];
	_ =	sdelay $0x4  }
0x64: {  	v27 =	vmul.f32 v27, v28;
	_ =	sdelay $0x1  }
0x65: {  	[tilespmem:v7+s25+$0x0] =	vst.idx.msk $0xffff, v27  }
0x66: {  	v27 =	vld [tilespmem:$0x10070];
	_ =	sdelay $0x4  }
0x67: {  	v27 =	vmul.f32 v27, v28;
	_ =	sdelay $0x1  }
0x68: {  	[tilespmem:v8+s25+$0x0] =	vst.idx.msk $0xffff, v27  }
0x69: {  	v27 =	vld [tilespmem:$0x10080];
	_ =	sdelay $0x4  }
0x6a: {  	v27 =	vadd.f32 $9.999999740e-05, v27;
	_ =	sdelay $0x1  }
0x6b: {  	(erf) = vrcp.f32 v27;
	_ =	sdelay $0x4  }
0x6c: {  	v27 =	vld [tilespmem:$0x10090];
	_ =	sdelay $0x3  }
0x6d: {  	v51 =	vpop (erf)  }
0x6e: {  	v27 =	vmul.f32 v51, v27;
	_ =	sdelay $0x1  }
0x6f: {  	[tilespmem:v9+s25+$0x0] =	vst.idx.msk $0xffff, v27  }
0x70: {  	v27 =	vld [tilespmem:$0x100A0];
	_ =	sdelay $0x4  }
0x71: {  	v27 =	vmul.f32 v27, v51;
	_ =	sdelay $0x1  }
0x72: {  	[tilespmem:v10+s25+$0x0] =	vst.idx.msk $0xffff, v27  }
0x73: {  	v27 =	vld [tilespmem:$0x100B0];
	_ =	sdelay $0x4  }
0x74: {  	v27 =	vmul.f32 v27, v51;
	_ =	sdelay $0x1  }
0x75: {  	[tilespmem:v11+s25+$0x0] =	vst.idx.msk $0xffff, v27  }
0x76: {  	v27 =	vld [tilespmem:$0x100C0];
	_ =	sdelay $0x4  }
0x77: {  	v27 =	vadd.f32 $9.999999740e-05, v27;
	_ =	sdelay $0x1  }
0x78: {  	(erf) = vrcp.f32 v27;
	_ =	sdelay $0x4  }
0x79: {  	v27 =	vld [tilespmem:$0x100D0];
	_ =	sdelay $0x3  }
0x7a: {  	v52 =	vpop (erf)  }
0x7b: {  	v27 =	vmul.f32 v52, v27;
	_ =	sdelay $0x1  }
0x7c: {  	[tilespmem:v12+s25+$0x0] =	vst.idx.msk $0xffff, v27  }
0x7d: {  	v27 =	vld [tilespmem:$0x100E0];
	_ =	sdelay $0x4  }
0x7e: {  	v27 =	vmul.f32 v27, v52;
	_ =	sdelay $0x1  }
0x7f: {  	[tilespmem:v13+s25+$0x0] =	vst.idx.msk $0xffff, v27  }
0x80: {  	v27 =	vld [tilespmem:$0x100F0];
	_ =	sdelay $0x4  }
0x81: {  	v27 =	vmul.f32 v27, v52;
	_ =	sdelay $0x1  }
0x82: {  	[tilespmem:v14+s25+$0x0] =	vst.idx.msk $0xffff, v27  }
0x83: {  	v27 =	vld [tilespmem:$0x10100];
	_ =	sdelay $0x4  }
0x84: {  	v27 =	vadd.f32 $9.999999740e-05, v27;
	_ =	sdelay $0x1  }
0x85: {  	(erf) = vrcp.f32 v27;
	_ =	sdelay $0x4  }
0x86: {  	v27 =	vld [tilespmem:$0x10110];
	_ =	sdelay $0x3  }
0x87: {  	v53 =	vpop (erf)  }
0x88: {  	v27 =	vmul.f32 v53, v27;
	_ =	sdelay $0x1  }
0x89: {  	[tilespmem:v15+s25+$0x0] =	vst.idx.msk $0xffff, v27  }
0x8a: {  	v27 =	vld [tilespmem:$0x10120];
	_ =	sdelay $0x4  }
0x8b: {  	v27 =	vmul.f32 v27, v53;
	_ =	sdelay $0x1  }
0x8c: {  	[tilespmem:v16+s25+$0x0] =	vst.idx.msk $0xffff, v27  }
0x8d: {  	v27 =	vld [tilespmem:$0x10130];
	_ =	sdelay $0x4  }
0x8e: {  	v27 =	vmul.f32 v27, v53;
	_ =	sdelay $0x1  }
0x8f: {  	[tilespmem:v17+s25+$0x0] =	vst.idx.msk $0xffff, v27  }
0x90: {  	v27 =	vld [tilespmem:$0x10140];
	_ =	sdelay $0x4  }
0x91: {  	v27 =	vadd.f32 $9.999999740e-05, v27;
	_ =	sdelay $0x1  }
0x92: {  	(erf) = vrcp.f32 v27;
	_ =	sdelay $0x4  }
0x93: {  	v27 =	vld [tilespmem:$0x10150];
	_ =	sdelay $0x3  }
0x94: {  	v54 =	vpop (erf)  }
0x95: {  	v27 =	vmul.f32 v54, v27;
	_ =	sdelay $0x1  }
0x96: {  	[tilespmem:v18+s25+$0x0] =	vst.idx.msk $0xffff, v27  }
0x97: {  	v27 =	vld [tilespmem:$0x10160];
	_ =	sdelay $0x4  }
0x98: {  	v27 =	vmul.f32 v27, v54;
	_ =	sdelay $0x1  }
0x99: {  	[tilespmem:v19+s25+$0x0] =	vst.idx.msk $0xffff, v27  }
0x9a: {  	v27 =	vld [tilespmem:$0x10170];
	_ =	sdelay $0x4  }
0x9b: {  	v27 =	vmul.f32 v27, v54;
	_ =	sdelay $0x1  }
0x9c: {  	[tilespmem:v20+s25+$0x0] =	vst.idx.msk $0xffff, v27  }
0x9d: {  	v27 =	vld [tilespmem:$0x10180];
	_ =	sdelay $0x4  }
0x9e: {  	v27 =	vadd.f32 $9.999999740e-05, v27;
	_ =	sdelay $0x1  }
0x9f: {  	(erf) = vrcp.f32 v27;
	_ =	sdelay $0x4  }
0xa0: {  	v27 =	vld [tilespmem:$0x10190];
	_ =	sdelay $0x3  }
0xa1: {  	v55 =	vpop (erf)  }
0xa2: {  	v27 =	vmul.f32 v55, v27;
	_ =	sdelay $0x1  }
0xa3: {  	[tilespmem:v21+s25+$0x0] =	vst.idx.msk $0xffff, v27  }
0xa4: {  	v27 =	vld [tilespmem:$0x101A0];
	_ =	sdelay $0x4  }
0xa5: {  	v27 =	vmul.f32 v27, v55;
	_ =	sdelay $0x1  }
0xa6: {  	[tilespmem:v22+s25+$0x0] =	vst.idx.msk $0xffff, v27  }
0xa7: {  	v27 =	vld [tilespmem:$0x101B0];
	_ =	sdelay $0x4  }
0xa8: {  	v27 =	vmul.f32 v27, v55;
	_ =	sdelay $0x1  }
0xa9: {  	[tilespmem:v23+s25+$0x0] =	vst.idx.msk $0xffff, v27  }
0xaa: {  	v27 =	vld [tilespmem:$0x101C0];
	_ =	sdelay $0x4  }
0xab: {  	v27 =	vadd.f32 $9.999999740e-05, v27;
	_ =	sdelay $0x1  }
0xac: {  	(erf) = vrcp.f32 v27;
	_ =	sdelay $0x4  }
0xad: {  	v27 =	vld [tilespmem:$0x101D0];
	_ =	sdelay $0x3  }
0xae: {  	v56 =	vpop (erf)  }
0xaf: {  	v27 =	vmul.f32 v56, v27;
	_ =	sdelay $0x1  }
0xb0: {  	[tilespmem:v24+s25+$0x0] =	vst.idx.msk $0xffff, v27  }
0xb1: {  	v27 =	vld [tilespmem:$0x101E0];
	_ =	sdelay $0x4  }
0xb2: {  	v27 =	vmul.f32 v27, v56;
	_ =	sdelay $0x1  }
0xb3: {  	[tilespmem:v25+s25+$0x0] =	vst.idx.msk $0xffff, v27  }
0xb4: {  	v27 =	vld [tilespmem:$0x101F0];
	_ =	sdelay $0x4  }
0xb5: {  	v27 =	vmul.f32 v27, v56;
	_ =	sdelay $0x1  }
0xb6: {  	[tilespmem:v26+s25+$0x0] =	vst.idx.msk $0xffff, v27  }
0xb7: {  	[hbm4b:s9+s1] =	stream.linear.scatter [tilespmem:s25], [sflag:$0x9], $0x180, $0x38;
	[tilespmem:$0x10C00] =	vst v63  }
0xb8: {  	_ =	swait.ge [sflag:s26], $0x180  }
0xb9: {  	[sflag:s26] =	ssyncset.done $0x0  }
0xba: {  	[sflag:s26] =	ssyncadd.s32 $0xFFFFFE80  }
0xbb: {  	[hbm4b:s10+s1] =	stream.linear.scatter [tilespmem:s28], [sflag:$0x9], $0x800, $0x38;
	[tilespmem:$0x10C00] =	vst v63  }
0xbc: {  	_ =	swait.ge [sflag:s26], $0x800  }
0xbd: {  	[sflag:s26] =	ssyncset.done $0x0  }
0xbe: {  	[sflag:s26] =	ssyncadd.s32 $0xFFFFF800  }
0xbf: {  	_ =	swait.ge [sflag:s29], $0x2000  }
0xc0: {  	[sflag:s29] =	ssyncset.done $0x0  }
0xc1: {  	[sflag:s29] =	ssyncadd.s32 $0xFFFFE000  }
0xc2: {  	_ =	swait.ge [sflag:s30], $0x2000  }
0xc3: {  	[sflag:s30] =	ssyncset.done $0x0  }
0xc4: {  	[sflag:s30] =	ssyncadd.s32 $0xFFFFE000  }
0xc5: {  	_ =	swait.ge [sflag:s31], $0x2000  }
0xc6: {  	[sflag:s31] =	ssyncset.done $0x0  }
0xc7: {  	[sflag:s31] =	ssyncadd.s32 $0xFFFFE000  }
0xc8: {  	_ =	swait.ge [sflag:s0], $0x2000  }
0xc9: {  	[sflag:s0] =	ssyncset.done $0x0  }
0xca: {  	[sflag:s0] =	ssyncadd.s32 $0xFFFFE000  }
0xcb: {  	[tilespmem:$0x10000] =	vst v3  }
0xcc: {  	[tilespmem:$0x10010] =	vst v3  }
0xcd: {  	[tilespmem:$0x10020] =	vst v3  }
0xce: {  	[tilespmem:$0x10030] =	vst v3  }
0xcf: {  	[tilespmem:$0x10040] =	vst v3  }
0xd0: {  	[tilespmem:$0x10050] =	vst v3  }
0xd1: {  	[tilespmem:$0x10060] =	vst v3  }
0xd2: {  	[tilespmem:$0x10070] =	vst v3  }
0xd3: {  	[tilespmem:$0x10080] =	vst v3  }
0xd4: {  	[tilespmem:$0x10090] =	vst v3  }
0xd5: {  	[tilespmem:$0x100A0] =	vst v3  }
0xd6: {  	[tilespmem:$0x100B0] =	vst v3  }
0xd7: {  	[tilespmem:$0x100C0] =	vst v3  }
0xd8: {  	[tilespmem:$0x100D0] =	vst v3  }
0xd9: {  	[tilespmem:$0x100E0] =	vst v3  }
0xda: {  	[tilespmem:$0x100F0] =	vst v3  }
0xdb: {  	[tilespmem:$0x10100] =	vst v3  }
0xdc: {  	[tilespmem:$0x10110] =	vst v3  }
0xdd: {  	[tilespmem:$0x10120] =	vst v3  }
0xde: {  	[tilespmem:$0x10130] =	vst v3  }
0xdf: {  	[tilespmem:$0x10140] =	vst v3  }
0xe0: {  	[tilespmem:$0x10150] =	vst v3  }
0xe1: {  	[tilespmem:$0x10160] =	vst v3  }
0xe2: {  	[tilespmem:$0x10170] =	vst v3  }
0xe3: {  	[tilespmem:$0x10180] =	vst v3  }
0xe4: {  	[tilespmem:$0x10190] =	vst v3  }
0xe5: {  	[tilespmem:$0x101A0] =	vst v3  }
0xe6: {  	[tilespmem:$0x101B0] =	vst v3  }
0xe7: {  	[tilespmem:$0x101C0] =	vst v3  }
0xe8: {  	[tilespmem:$0x101D0] =	vst v3  }
0xe9: {  	[tilespmem:$0x101E0] =	vst v3  }
0xea: {  	[tilespmem:$0x101F0] =	vst v3  }
0xeb: {  	[tilespmem:$0x10200] =	vst v3  }
0xec: {  	[tilespmem:$0x10210] =	vst v3  }
0xed: {  	[tilespmem:$0x10220] =	vst v3  }
0xee: {  	[tilespmem:$0x10230] =	vst v3  }
0xef: {  	[tilespmem:v1+s25+$0x0] =	vst.idx.msk $0xffff, v2  }
0xf0: {  	v27 =	vld [tilespmem:$0x10020];
	_ =	sdelay $0x4  }
0xf1: {  	v27 =	vmul.f32 v27, v0;
	_ =	sdelay $0x1  }
0xf2: {  	[tilespmem:v4+s25+$0x0] =	vst.idx.msk $0xffff, v27  }
0xf3: {  	v27 =	vld [tilespmem:$0x10030];
	_ =	sdelay $0x4  }
0xf4: {  	v27 =	vmul.f32 v27, v0;
	_ =	sdelay $0x1  }
0xf5: {  	[tilespmem:v5+s25+$0x0] =	vst.idx.msk $0xffff, v27  }
0xf6: {  	v27 =	vld [tilespmem:$0x10040];
	_ =	sdelay $0x4  }
0xf7: {  	v27 =	vadd.f32 $9.999999740e-05, v27;
	_ =	sdelay $0x1  }
0xf8: {  	(erf) = vrcp.f32 v27;
	_ =	sdelay $0x4  }
0xf9: {  	v27 =	vld [tilespmem:$0x10050];
	_ =	sdelay $0x3  }
0xfa: {  	v57 =	vpop (erf)  }
0xfb: {  	v27 =	vmul.f32 v57, v27;
	_ =	sdelay $0x1  }
0xfc: {  	[tilespmem:v6+s25+$0x0] =	vst.idx.msk $0xffff, v27  }
0xfd: {  	v27 =	vld [tilespmem:$0x10060];
	_ =	sdelay $0x4  }
0xfe: {  	v27 =	vmul.f32 v27, v57;
	_ =	sdelay $0x1  }
0xff: {  	[tilespmem:v7+s25+$0x0] =	vst.idx.msk $0xffff, v27  }
0x100: {  	v27 =	vld [tilespmem:$0x10070];
	_ =	sdelay $0x4  }
0x101: {  	v27 =	vmul.f32 v27, v57;
	_ =	sdelay $0x1  }
0x102: {  	[tilespmem:v8+s25+$0x0] =	vst.idx.msk $0xffff, v27  }
0x103: {  	v27 =	vld [tilespmem:$0x10080];
	_ =	sdelay $0x4  }
0x104: {  	v27 =	vadd.f32 $9.999999740e-05, v27;
	_ =	sdelay $0x1  }
0x105: {  	(erf) = vrcp.f32 v27;
	_ =	sdelay $0x4  }
0x106: {  	v27 =	vld [tilespmem:$0x10090];
	_ =	sdelay $0x3  }
0x107: {  	v58 =	vpop (erf)  }
0x108: {  	v27 =	vmul.f32 v58, v27;
	_ =	sdelay $0x1  }
0x109: {  	[tilespmem:v9+s25+$0x0] =	vst.idx.msk $0xffff, v27  }
0x10a: {  	v27 =	vld [tilespmem:$0x100A0];
	_ =	sdelay $0x4  }
0x10b: {  	v27 =	vmul.f32 v27, v58;
	_ =	sdelay $0x1  }
0x10c: {  	[tilespmem:v10+s25+$0x0] =	vst.idx.msk $0xffff, v27  }
0x10d: {  	v27 =	vld [tilespmem:$0x100B0];
	_ =	sdelay $0x4  }
0x10e: {  	v27 =	vmul.f32 v27, v58;
	_ =	sdelay $0x1  }
0x10f: {  	[tilespmem:v11+s25+$0x0] =	vst.idx.msk $0xffff, v27  }
0x110: {  	v27 =	vld [tilespmem:$0x100C0];
	_ =	sdelay $0x4  }
0x111: {  	v27 =	vadd.f32 $9.999999740e-05, v27;
	_ =	sdelay $0x1  }
0x112: {  	(erf) = vrcp.f32 v27;
	_ =	sdelay $0x4  }
0x113: {  	v27 =	vld [tilespmem:$0x100D0];
	_ =	sdelay $0x3  }
0x114: {  	v59 =	vpop (erf)  }
0x115: {  	v27 =	vmul.f32 v59, v27;
	_ =	sdelay $0x1  }
0x116: {  	[tilespmem:v12+s25+$0x0] =	vst.idx.msk $0xffff, v27  }
0x117: {  	v27 =	vld [tilespmem:$0x100E0];
	_ =	sdelay $0x4  }
0x118: {  	v27 =	vmul.f32 v27, v59;
	_ =	sdelay $0x1  }
0x119: {  	[tilespmem:v13+s25+$0x0] =	vst.idx.msk $0xffff, v27  }
0x11a: {  	v27 =	vld [tilespmem:$0x100F0];
	_ =	sdelay $0x4  }
0x11b: {  	v27 =	vmul.f32 v27, v59;
	_ =	sdelay $0x1  }
0x11c: {  	[tilespmem:v14+s25+$0x0] =	vst.idx.msk $0xffff, v27  }
0x11d: {  	v27 =	vld [tilespmem:$0x10100];
	_ =	sdelay $0x4  }
0x11e: {  	v27 =	vadd.f32 $9.999999740e-05, v27;
	_ =	sdelay $0x1  }
0x11f: {  	(erf) = vrcp.f32 v27;
	_ =	sdelay $0x4  }
0x120: {  	v27 =	vld [tilespmem:$0x10110];
	_ =	sdelay $0x3  }
0x121: {  	v60 =	vpop (erf)  }
0x122: {  	v27 =	vmul.f32 v60, v27;
	_ =	sdelay $0x1  }
0x123: {  	[tilespmem:v15+s25+$0x0] =	vst.idx.msk $0xffff, v27  }
0x124: {  	v27 =	vld [tilespmem:$0x10120];
	_ =	sdelay $0x4  }
0x125: {  	v27 =	vmul.f32 v27, v60;
	_ =	sdelay $0x1  }
0x126: {  	[tilespmem:v16+s25+$0x0] =	vst.idx.msk $0xffff, v27  }
0x127: {  	v27 =	vld [tilespmem:$0x10130];
	_ =	sdelay $0x4  }
0x128: {  	v27 =	vmul.f32 v27, v60;
	_ =	sdelay $0x1  }
0x129: {  	[tilespmem:v17+s25+$0x0] =	vst.idx.msk $0xffff, v27  }
0x12a: {  	v27 =	vld [tilespmem:$0x10140];
	_ =	sdelay $0x4  }
0x12b: {  	v27 =	vadd.f32 $9.999999740e-05, v27;
	_ =	sdelay $0x1  }
0x12c: {  	(erf) = vrcp.f32 v27;
	_ =	sdelay $0x4  }
0x12d: {  	v27 =	vld [tilespmem:$0x10150];
	_ =	sdelay $0x3  }
0x12e: {  	v61 =	vpop (erf)  }
0x12f: {  	v27 =	vmul.f32 v61, v27;
	_ =	sdelay $0x1  }
0x130: {  	[tilespmem:v18+s25+$0x0] =	vst.idx.msk $0xffff, v27  }
0x131: {  	v27 =	vld [tilespmem:$0x10160];
	_ =	sdelay $0x4  }
0x132: {  	v27 =	vmul.f32 v27, v61;
	_ =	sdelay $0x1  }
0x133: {  	[tilespmem:v19+s25+$0x0] =	vst.idx.msk $0xffff, v27  }
0x134: {  	v27 =	vld [tilespmem:$0x10170];
	_ =	sdelay $0x4  }
0x135: {  	v27 =	vmul.f32 v27, v61;
	_ =	sdelay $0x1  }
0x136: {  	[tilespmem:v20+s25+$0x0] =	vst.idx.msk $0xffff, v27  }
0x137: {  	v27 =	vld [tilespmem:$0x10180];
	_ =	sdelay $0x4  }
0x138: {  	v27 =	vadd.f32 $9.999999740e-05, v27;
	_ =	sdelay $0x1  }
0x139: {  	(erf) = vrcp.f32 v27;
	_ =	sdelay $0x4  }
0x13a: {  	v27 =	vld [tilespmem:$0x10190];
	_ =	sdelay $0x3  }
0x13b: {  	v62 =	vpop (erf)  }
0x13c: {  	v27 =	vmul.f32 v62, v27;
	_ =	sdelay $0x1  }
0x13d: {  	[tilespmem:v21+s25+$0x0] =	vst.idx.msk $0xffff, v27  }
0x13e: {  	v27 =	vld [tilespmem:$0x101A0];
	_ =	sdelay $0x4  }
0x13f: {  	v27 =	vmul.f32 v27, v62;
	_ =	sdelay $0x1  }
0x140: {  	[tilespmem:v22+s25+$0x0] =	vst.idx.msk $0xffff, v27  }
0x141: {  	v27 =	vld [tilespmem:$0x101B0];
	_ =	sdelay $0x4  }
0x142: {  	v27 =	vmul.f32 v27, v62;
	_ =	sdelay $0x1  }
0x143: {  	[tilespmem:v23+s25+$0x0] =	vst.idx.msk $0xffff, v27  }
0x144: {  	v27 =	vld [tilespmem:$0x101C0];
	_ =	sdelay $0x4  }
0x145: {  	v27 =	vadd.f32 $9.999999740e-05, v27;
	_ =	sdelay $0x1  }
0x146: {  	(erf) = vrcp.f32 v27;
	_ =	sdelay $0x4  }
0x147: {  	v27 =	vld [tilespmem:$0x101D0];
	_ =	sdelay $0x3  }
0x148: {  	v63 =	vpop (erf)  }
0x149: {  	v27 =	vmul.f32 v63, v27;
	_ =	sdelay $0x1  }
0x14a: {  	[tilespmem:v24+s25+$0x0] =	vst.idx.msk $0xffff, v27  }
0x14b: {  	v27 =	vld [tilespmem:$0x101E0];
	_ =	sdelay $0x4  }
0x14c: {  	v27 =	vmul.f32 v27, v63;
	_ =	sdelay $0x1  }
0x14d: {  	[tilespmem:v25+s25+$0x0] =	vst.idx.msk $0xffff, v27  }
0x14e: {  	v27 =	vld [tilespmem:$0x101F0];
	_ =	sdelay $0x4  }
0x14f: {  	v27 =	vmul.f32 v27, v63;
	_ =	sdelay $0x1  }
0x150: {  	[tilespmem:v26+s25+$0x0] =	vst.idx.msk $0xffff, v27  }
0x151: {  	[hbm4b:s11+s1] =	stream.linear.scatter [tilespmem:s25], [sflag:$0x9], $0x180, $0x38;
	[tilespmem:$0x10C00] =	vst v63  }
0x152: {  	_ =	swait.ge [sflag:s26], $0x180  }
0x153: {  	p0 =	sne.s32 s13, $0x1;
	[sflag:s26] =	ssyncset.done $0x0  }
.Ltmp0:
0x154: {  	[sflag:s26] =	ssyncadd.s32 $0xFFFFFE80;
	(pc) =	sbr.rel @p0 .LBB2_1-.Ltmp0, $4  }
0x155: {  	[hbm4b:s12+s1] =	stream.linear.scatter [tilespmem:s28], [sflag:$0x9], $0x800, $0x38;
	[tilespmem:$0x10C00] =	vst v63  }
0x156: {  	_ =	swait.ge [sflag:s26], $0x800  }
0x157: {  	[sflag:s26] =	ssyncset.done $0x0  }
0x158: {  	s13 =	sadd.s32 $0xFFFFFFFF, s13;
	[sflag:s26] =	ssyncadd.s32 $0xFFFFF800  }
0x159: {  	_ =	sfence.sel $0x180000  }
0x15a: {  	[bflag:$0x0] =	sbarrier.arrive $0xFFFF  }
0x15b: {  	_ =	strace $0x90000047  }
0x15c: {  	s0 =	stileid.u32;
	[bflag:$0x2] =	sbarrier.arrive $0xFFFF  }
0x15d: {  	p0 =	sne.s32 s0, $0x0;
	s0 =	rddreg [dreg:$0x3]  }
0x15e: {  	s0 =	sadd.s32 @!p0 $0x100000, s0  }
0x15f: {  	[sflag:s0] =	ssyncadd.tile.s32 @!p0 $0x1;
	_ =	shalt  }
.Lfunc_end2:
_tile_overlayer_lowered:
.L_overlay_start_2:
0x160: {  	(tag) =	ssettag $0x2  }
0x161: {  	s0 =	rddreg [dreg:$0x0];
	s2 =	stileid.u32  }
0x162: {  	s1 =	rddreg [dreg:$0x1];
	p0 =	sne.s32 s2, $0x0  }
0x163: {  	s3 =	rddreg [dreg:$0x2];
	[bflag:$0x3] =	sbarrier.arrive $0xFFFF;
	s2 =	simm.s32 @!p0 $0x1C09  }
0x164: {  	[timem:s3], [sflag:s2] =	dma.local @!p0 [hbm:s0], s1  }
0x165: {  	s0 =	simm.s32 @!p0 $0x9  }
0x166: {  	_ =	swait.ge @!p0 [sflag:s0], s1  }
0x167: {  	s1 =	ssub.s32 @!p0 $0x0, s1;
	[sflag:s0] =	ssyncset.done @!p0 $0x0  }
0x168: {  	[sflag:s0] =	ssyncadd.s32 @!p0 s1  }
0x169: {  	[bflag:$0x3] =	sbarrier.arrive $0xFFFF  }
0x16a: {  	_ =	shalt  }

</sc_bundles>
